<compile_context>
chip_gen: v7x
topology: tpu7x:2x2x1
jax: 0.10.2.dev20260603
libtpu: 0.0.44.dev20260713+nightly
codegen_flags: <defaults>
</compile_context>

<pallas_src>
import math

import jax
import jax.numpy as jnp
from jax import lax
from jax.experimental import pallas as pl
from jax.experimental.pallas import tpu as pltpu
from jax.experimental.pallas import tpu_sc as plsc

_NEG_INF = float("-inf")


def _sc_count_body(l_q, l_k, sample_k, qb_size, j_half, idx3, cnt_out,
                   buf_v, idx_v):
    cid = lax.axis_index("c")
    sid = lax.axis_index("s")
    w = sid * 2 + cid
    n_qb = l_q // qb_size
    ones = jnp.ones((16,), jnp.float32)
    zeros16 = jnp.zeros((16,), jnp.float32)
    qiota = lax.iota(jnp.int32, 16)

    for half in range(2):
        j0 = w * (2 * j_half) + half * j_half

        def zero_body(z, _):
            buf_v[pl.ds(pl.multiple_of(z * 16, 16), 16)] = zeros16
            return 0

        lax.fori_loop(0, (j_half * l_q) // 16, zero_body, 0)

        def qb_body(qb, _):
            pltpu.sync_copy(idx3.at[qb], idx_v)

            def s_body(s, _):
                def qv_body(qv, _):
                    q0 = pl.multiple_of(qv * 16, 16)
                    vec = idx_v[s, pl.ds(q0, 16)]
                    inr = (vec >= j0) & (vec < j0 + j_half)
                    row = jnp.where(inr, vec - j0, 0)
                    flat = row * l_q + qb * qb_size + q0 + qiota
                    val = jnp.where(inr, ones, 0.0)
                    plsc.addupdate_scatter(buf_v, [flat], val)
                    return 0

                lax.fori_loop(0, qb_size // 16, qv_body, 0)
                return 0

            lax.fori_loop(0, sample_k, s_body, 0)
            return 0

        lax.fori_loop(0, n_qb, qb_body, 0)
        pltpu.sync_copy(buf_v, cnt_out.at[pl.ds(j0 * l_q, j_half * l_q)])


def _sc_count(idx_t, l_q, l_k):
    sample_k = idx_t.shape[0]
    qb_size = 256
    n_qb = l_q // qb_size
    j_half = l_k // 64
    idx3 = (idx_t.reshape(sample_k, n_qb, qb_size)
            .transpose(1, 0, 2))
    mesh = plsc.VectorSubcoreMesh(core_axis_name="c", subcore_axis_name="s",
                                  num_cores=2, num_subcores=16)
    body = lambda *refs: _sc_count_body(l_q, l_k, sample_k, qb_size, j_half,
                                        *refs)
    cnt_flat = pl.kernel(
        body,
        out_type=jax.ShapeDtypeStruct((l_k * l_q,), jnp.float32),
        mesh=mesh,
        compiler_params=pltpu.CompilerParams(needs_layout_passes=False),
        scratch_types=[
            pltpu.VMEM((j_half * l_q,), jnp.float32),
            pltpu.VMEM((sample_k, qb_size), jnp.int32),
        ],
    )(idx3)
    return cnt_flat.reshape(l_k, l_q)


def _index_sample_t(l_q: int, l_k: int, sample_k: int):
    idx = jax.random.randint(jax.random.key(42), (l_q, sample_k), 0, l_k)
    return idx.T.astype(jnp.int32)


def _attn_body(n_top, sample_k, n_bh, chunk, cnt_ref, mask_ref, q_ref,
               k_ref, v_ref, o_ref, m_ref, oh_ref):
    L = q_ref.shape[1]
    D = q_ref.shape[2]
    i = pl.program_id(0)

    @pl.when(i < n_bh)
    def _compute_m():
        q = q_ref[0]
        k = k_ref[0]
        for c in range(0, L, chunk):
            st = lax.dot_general(k, q[c:c + chunk, :],
                                 (((1,), (1,)), ((), ())),
                                 preferred_element_type=jnp.float32)
            cnt = cnt_ref[:, c:c + chunk]
            mmax = jnp.max(jnp.where(cnt > 0.0, st, _NEG_INF), axis=0,
                           keepdims=True)
            msum = jnp.sum(st * cnt, axis=0, keepdims=True)
            m_ref[pl.ds(i, 1), c:c + chunk] = mmax - msum * (1.0 / L)

    @pl.when(i == n_bh)
    def _topk():
        lane = lax.broadcasted_iota(jnp.int32, (n_bh, L), 1)
        m_cur = m_ref[...]
        for r in range(n_top):
            mx = jnp.max(m_cur, axis=1, keepdims=True)
            idx_r = jnp.min(jnp.where(m_cur == mx, lane, L), axis=1,
                            keepdims=True)
            oh_ref[:, r, :] = (lane == idx_r).astype(jnp.float32)
            m_cur = jnp.where(lane == idx_r, _NEG_INF, m_cur)

    @pl.when(i >= n_bh)
    def _attend():
        h = i - n_bh
        q = q_ref[0]
        k = k_ref[0]
        v = v_ref[0]
        onehot = oh_ref[h]
        q_red = jnp.dot(onehot, q, preferred_element_type=jnp.float32)
        scores = lax.dot_general(q_red, k, (((1,), (1,)), ((), ())),
                                 preferred_element_type=jnp.float32)
        scores = scores * (1.0 / math.sqrt(D))
        scores = jnp.where(mask_ref[...] == 0, _NEG_INF, scores)
        smx = jnp.max(scores, axis=1, keepdims=True)
        e = jnp.exp(scores - smx)
        a = e / jnp.sum(e, axis=1, keepdims=True)
        o_ref[0] = jnp.dot(a, v, preferred_element_type=jnp.float32)


def kernel(queries, keys, values, attn_mask):
    B, L_Q, H, D = queries.shape
    L_K = keys.shape[1]
    factor = 5
    u_part = int(factor * math.ceil(math.log(max(L_K, 1))))
    u = int(factor * math.ceil(math.log(max(L_Q, 1))))
    u_part = max(min(u_part, L_K), 1)
    u = max(min(u, L_Q), 1)
    sample_k = min(u_part, L_K)
    n_top = min(u, L_Q)

    idx_t = _index_sample_t(L_Q, L_K, sample_k)
    mask_i = attn_mask.astype(jnp.int32)
    chunk = 512
    BH = B * H

    cnt = _sc_count(idx_t, L_Q, L_K)

    q_t = jnp.swapaxes(queries, 1, 2).reshape(BH, L_Q, D)
    k_t = jnp.swapaxes(keys, 1, 2).reshape(BH, L_K, D)
    v_t = jnp.swapaxes(values, 1, 2).reshape(BH, L_K, D)

    body = lambda *refs: _attn_body(n_top, sample_k, BH, chunk, *refs)
    out = pl.pallas_call(
        body,
        grid=(2 * BH,),
        in_specs=[
            pl.BlockSpec((L_K, L_Q), lambda i: (0, 0)),
            pl.BlockSpec((1, L_K), lambda i: ((i % BH) // H, 0)),
            pl.BlockSpec((1, L_Q, D), lambda i: (i % BH, 0, 0)),
            pl.BlockSpec((1, L_K, D), lambda i: (i % BH, 0, 0)),
            pl.BlockSpec((1, L_K, D), lambda i: (i % BH, 0, 0)),
        ],
        out_specs=pl.BlockSpec((1, n_top, D), lambda i: (i % BH, 0, 0)),
        out_shape=jax.ShapeDtypeStruct((BH, n_top, D), jnp.float32),
        scratch_shapes=[
            pltpu.VMEM((BH, L_Q), jnp.float32),
            pltpu.VMEM((BH, n_top, L_Q), jnp.float32),
        ],
    )(cnt, mask_i, q_t, k_t, v_t)
    return jnp.swapaxes(out.reshape(B, H, n_top, D), 1, 2)

# --- scband reference (transcript-rebuilt; emitter-appended) ---
"""Pipeline reference for scband-prob-attention-84911503442551 (READ-ONLY COPY).

The authoritative reference and input builder live on the scoring server;
editing this copy changes nothing except your own understanding.
"""

import jax, jax.numpy as jnp
import numpy as np
import math


def setup_inputs(seed: int = 0) -> dict:
    key = jax.random.key(seed)
    k1, k2, k3 = jax.random.split(key, 3)
    B, L, H, D = 1, 2048, 16, 64
    queries = jax.random.normal(k1, (B, L, H, D), dtype=jnp.float32)
    keys = jax.random.normal(k2, (B, L, H, D), dtype=jnp.float32)
    values = jax.random.normal(k3, (B, L, H, D), dtype=jnp.float32)
    attn_mask = jnp.ones((B, L), dtype=bool)
    return {"queries": queries, "keys": keys, "values": values, "attn_mask": attn_mask}


def reference(queries, keys, values, attn_mask):
    factor = 5
    B, L_Q, H, D = queries.shape
    L_K = keys.shape[1]
    # [B, L, H, D] -> [B, H, L, D]
    Q = jnp.swapaxes(queries, 1, 2)
    K = jnp.swapaxes(keys, 1, 2)
    V = jnp.swapaxes(values, 1, 2)
    U_part = int(factor * math.ceil(math.log(max(L_K, 1))))
    u = int(factor * math.ceil(math.log(max(L_Q, 1))))
    U_part = max(min(U_part, L_K), 1)
    u = max(min(u, L_Q), 1)
    sample_k = min(U_part, L_K)
    n_top = min(u, L_Q)
    # random key sampling (torch.randint analogue, fixed key for determinism)
    idx_key = jax.random.key(42)
    index_sample = jax.random.randint(idx_key, (L_Q, sample_k), 0, L_K)
    # K_sample[b,h,q,s,:] = K[b,h,index_sample[q,s],:]  -> [B, H, L_Q, sample_k, D]
    K_sample = K[:, :, index_sample, :]
    # Q_K_sample: [B, H, L_Q, sample_k]
    Q_K_sample = jnp.squeeze(jnp.matmul(Q[:, :, :, None, :], jnp.swapaxes(K_sample, -2, -1)), axis=-2)
    # sparsity measurement M
    M = Q_K_sample.max(axis=-1) - Q_K_sample.sum(axis=-1) / L_K
    _, M_top = jax.lax.top_k(M, n_top)  # [B, H, n_top]
    # gather the top queries
    Q_reduce = jnp.take_along_axis(Q, M_top[..., None], axis=2)  # [B, H, n_top, D]
    Q_K = jnp.matmul(Q_reduce, jnp.swapaxes(K, -2, -1))  # [B, H, n_top, L_K]
    scale = 1.0 / math.sqrt(D)
    scores = Q_K * scale
    # attn_mask is 2D -> broadcast like unsqueeze(1).unsqueeze(1)
    mask = attn_mask[:, None, None, :]
    scores = jnp.where(mask == 0, -jnp.inf, scores)
    A = jax.nn.softmax(scores, axis=-1)  # dropout p=0.0 -> identity
    context = jnp.matmul(A, V)  # [B, H, n_top, D]
    context = jnp.swapaxes(context, 1, 2)  # [B, n_top, H, D]
    return context

if __name__ == "__main__":
    import jax
    _d = setup_inputs()
    print(jax.jit(kernel)(*tuple(_d.values())))

</pallas_src>

<mosaic_0001>
#map = affine_map<(d0, d1) -> (0, 0, 0)>
#map1 = affine_map<(d0, d1) -> (0)>
module attributes {stable_mosaic.version = 14 : i64} {
  func.func @_lambda_(%arg0: i32, %arg1: i32, %arg2: memref<8x40x256xi32, #tpu.memory_space<hbm>>, %arg3: memref<4194304xf32, #tpu.memory_space<hbm>>, %arg4: memref<65536xf32, #tpu.memory_space<vmem>>, %arg5: memref<40x256xi32, #tpu.memory_space<vmem>>) attributes {dimension_semantics = [#tpu.dimension_semantics<core_parallel>, #tpu.dimension_semantics<subcore_parallel>], iteration_bounds = array<i64: 2, 16>, scalar_prefetch = 0 : i64, scratch_operands = 2 : i64, tpu.core_type = #tpu.core_type<sc_vector_subcore>, window_params = [{transform_indices = #map}, {transform_indices = #map1}]} {
    %mul3A = arith.constant 2 : i32
    %mul3A_0 = arith.muli %arg1, %mul3A : i32
    %add3A = arith.addi %mul3A_0, %arg0 : i32
    %broadcast_in_dim3A = arith.constant 1.000000e+00 : f32
    %broadcast_in_dim3A_1 = vector.broadcast %broadcast_in_dim3A : f32 to vector<16xf32>
    %broadcast_in_dim3A_2 = arith.constant 0.000000e+00 : f32
    %broadcast_in_dim3A_3 = vector.broadcast %broadcast_in_dim3A_2 : f32 to vector<16xf32>
    %iota3A = tpu.iota {dimensions = array<i32: 0>} : vector<16xi32>
    %mul3A_4 = arith.constant 64 : i32
    %mul3A_5 = arith.muli %add3A, %mul3A_4 : i32
    %add3A_6 = arith.constant 0 : i32
    %add3A_7 = arith.addi %mul3A_5, %add3A_6 : i32
    %scan3A = arith.constant 0 : i32
    %scan3A_8 = arith.constant 0 : i32
    %scan3A_9 = arith.constant 4096 : i32
    %scan3A_10 = arith.addi %scan3A_8, %scan3A_9 : i32
    %scan3A_11 = arith.constant 1 : i32
    %scan3A_12 = scf.for %scan3A_43 = %scan3A_8 to %scan3A_10 step %scan3A_11 iter_args(%scan3A_44 = %scan3A) -> (i32)  : i32 {
      %mul3A_45 = arith.constant 16 : i32
      %mul3A_46 = arith.muli %scan3A_43, %mul3A_45 : i32
      %multiple_of3A = tpu.assume_multiple %mul3A_46, 16 : i32
      %swap3A = arith.index_cast %multiple_of3A : i32 to index
      %swap3A_47 = tpu.vector_load %arg4[%swap3A] {strides = array<i32>} : memref<65536xf32, #tpu.memory_space<vmem>>, vector<16xf32>,
      tpu.vector_store %arg4[%swap3A], %broadcast_in_dim3A_3 {strides = array<i32>} : memref<65536xf32, #tpu.memory_space<vmem>>, vector<16xf32>,
      %scan3A_48 = arith.constant 0 : i32
      scf.yield %scan3A_48 : i32
    }
    %scan3A_13 = arith.constant 4096 : i32
    %scan3A_14 = arith.constant 0 : i32
    %scan3A_15 = arith.constant 0 : i32
    %scan3A_16 = arith.constant 8 : i32
    %scan3A_17 = arith.addi %scan3A_15, %scan3A_16 : i32
    %scan3A_18 = arith.constant 1 : i32
    %scan3A_19 = scf.for %scan3A_43 = %scan3A_15 to %scan3A_17 step %scan3A_18 iter_args(%scan3A_44 = %scan3A_14) -> (i32)  : i32 {
      "tpu.region"() ({
        %run_scoped3A = tpu.sem_alloc : memref<!tpu.dma_semaphore, #tpu.memory_space<semaphore_mem>>
        %dma_start3A = arith.constant 0 : i32
        %dma_start3A_53 = arith.constant 0 : i32
        %dma_start3A_54 = tpu.memref_slice %arg2[%scan3A_43, %dma_start3A, %dma_start3A_53] : memref<8x40x256xi32, #tpu.memory_space<hbm>> -> memref<1x40x256xi32, #tpu.memory_space<hbm>>
        %dma_start3A_55 = tpu.memref_squeeze %dma_start3A_54 : memref<1x40x256xi32, #tpu.memory_space<hbm>> -> memref<40x256xi32, #tpu.memory_space<hbm>>
        %dma_start3A_56 = arith.constant 0 : i32
        %dma_start3A_57 = arith.constant 0 : i32
        %dma_start3A_58 = tpu.memref_slice %arg2[%scan3A_43, %dma_start3A_56, %dma_start3A_57] : memref<8x40x256xi32, #tpu.memory_space<hbm>> -> memref<1x40x256xi32, #tpu.memory_space<hbm>>
        %dma_start3A_59 = tpu.memref_squeeze %dma_start3A_58 : memref<1x40x256xi32, #tpu.memory_space<hbm>> -> memref<40x256xi32, #tpu.memory_space<hbm>>
        tpu.enqueue_dma source(%dma_start3A_59 : memref<40x256xi32, #tpu.memory_space<hbm>>) target(%arg5 : memref<40x256xi32, #tpu.memory_space<vmem>>) target_semaphore(%run_scoped3A : memref<!tpu.dma_semaphore, #tpu.memory_space<semaphore_mem>>)
        %dma_wait3A = arith.constant 0 : i32
        %dma_wait3A_60 = arith.constant 0 : i32
        %dma_wait3A_61 = tpu.memref_slice %arg2[%scan3A_43, %dma_wait3A, %dma_wait3A_60] : memref<8x40x256xi32, #tpu.memory_space<hbm>> -> memref<1x40x256xi32, #tpu.memory_space<hbm>>
        %dma_wait3A_62 = tpu.memref_squeeze %dma_wait3A_61 : memref<1x40x256xi32, #tpu.memory_space<hbm>> -> memref<40x256xi32, #tpu.memory_space<hbm>>
        %dma_wait3A_63 = arith.constant 0 : i32
        %dma_wait3A_64 = arith.constant 0 : i32
        %dma_wait3A_65 = tpu.memref_slice %arg2[%scan3A_43, %dma_wait3A_63, %dma_wait3A_64] : memref<8x40x256xi32, #tpu.memory_space<hbm>> -> memref<1x40x256xi32, #tpu.memory_space<hbm>>
        %dma_wait3A_66 = tpu.memref_squeeze %dma_wait3A_65 : memref<1x40x256xi32, #tpu.memory_space<hbm>> -> memref<40x256xi32, #tpu.memory_space<hbm>>
        tpu.wait_dma2 semaphore(%run_scoped3A : memref<!tpu.dma_semaphore, #tpu.memory_space<semaphore_mem>>) src(%dma_wait3A_66 : memref<40x256xi32, #tpu.memory_space<hbm>>) dst(%arg5 : memref<40x256xi32, #tpu.memory_space<vmem>>)
        tpu.yield
      }) : () -> ()
      %scan3A_45 = arith.constant 0 : i32
      %scan3A_46 = arith.constant 0 : i32
      %scan3A_47 = arith.constant 40 : i32
      %scan3A_48 = arith.addi %scan3A_46, %scan3A_47 : i32
      %scan3A_49 = arith.constant 1 : i32
      %scan3A_50 = scf.for %scan3A_53 = %scan3A_46 to %scan3A_48 step %scan3A_49 iter_args(%scan3A_54 = %scan3A_45) -> (i32)  : i32 {
        %scan3A_55 = arith.constant 0 : i32
        %scan3A_56 = arith.constant 0 : i32
        %scan3A_57 = arith.constant 16 : i32
        %scan3A_58 = arith.addi %scan3A_56, %scan3A_57 : i32
        %scan3A_59 = arith.constant 1 : i32
        %scan3A_60 = scf.for %scan3A_63 = %scan3A_56 to %scan3A_58 step %scan3A_59 iter_args(%scan3A_64 = %scan3A_55) -> (i32)  : i32 {
          %mul3A_65 = arith.constant 16 : i32
          %mul3A_66 = arith.muli %scan3A_63, %mul3A_65 : i32
          %multiple_of3A = tpu.assume_multiple %mul3A_66, 16 : i32
          %get3A = arith.index_cast %scan3A_53 : i32 to index
          %get3A_67 = arith.index_cast %multiple_of3A : i32 to index
          %get3A_68 = tpu.vector_load %arg5[%get3A, %get3A_67] {strides = array<i32>} : memref<40x256xi32, #tpu.memory_space<vmem>>, vector<16xi32>,
          %ge3A = vector.broadcast %add3A_7 : i32 to vector<16xi32>
          %ge3A_69 = arith.cmpi sge, %get3A_68, %ge3A : vector<16xi32>
          %add3A_70 = arith.constant 32 : i32
          %add3A_71 = arith.addi %add3A_7, %add3A_70 : i32
          %lt3A = vector.broadcast %add3A_71 : i32 to vector<16xi32>
          %lt3A_72 = arith.cmpi slt, %get3A_68, %lt3A : vector<16xi32>
          %and3A = arith.andi %ge3A_69, %lt3A_72 : vector<16xi1>
          %sub3A = vector.broadcast %add3A_7 : i32 to vector<16xi32>
          %sub3A_73 = arith.subi %get3A_68, %sub3A : vector<16xi32>
          %jit3A = arith.constant 0 : i32
          %broadcast_in_dim3A_74 = vector.broadcast %jit3A : i32 to vector<16xi32>
          %select_n3A = arith.select %and3A, %sub3A_73, %broadcast_in_dim3A_74 : vector<16xi1>, vector<16xi32>
          %mul3A_75 = arith.constant 2048 : i32
          %mul3A_76 = vector.broadcast %mul3A_75 : i32 to vector<16xi32>
          %mul3A_77 = arith.muli %select_n3A, %mul3A_76 : vector<16xi32>
          %mul3A_78 = arith.constant 256 : i32
          %mul3A_79 = arith.muli %scan3A_43, %mul3A_78 : i32
          %add3A_80 = vector.broadcast %mul3A_79 : i32 to vector<16xi32>
          %add3A_81 = arith.addi %mul3A_77, %add3A_80 : vector<16xi32>
          %add3A_82 = vector.broadcast %multiple_of3A : i32 to vector<16xi32>
          %add3A_83 = arith.addi %add3A_81, %add3A_82 : vector<16xi32>
          %add3A_84 = arith.addi %add3A_83, %iota3A : vector<16xi32>
          %jit3A_85 = arith.constant 0.000000e+00 : f32
          %broadcast_in_dim3A_86 = vector.broadcast %jit3A_85 : f32 to vector<16xf32>
          %select_n3A_87 = arith.select %and3A, %broadcast_in_dim3A_1, %broadcast_in_dim3A_86 : vector<16xi1>, vector<16xf32>
          tpu.vector_store_idx %arg4[%add3A_84], %select_n3A_87 {add = true} : memref<65536xf32, #tpu.memory_space<vmem>>[vector<16xi32>], vector<16xf32>,
          %scan3A_88 = arith.constant 0 : i32
          scf.yield %scan3A_88 : i32
        }
        %scan3A_61 = arith.constant 16 : i32
        %scan3A_62 = arith.constant 0 : i32
        scf.yield %scan3A_62 : i32
      }
      %scan3A_51 = arith.constant 40 : i32
      %scan3A_52 = arith.constant 0 : i32
      scf.yield %scan3A_52 : i32
    }
    %scan3A_20 = arith.constant 8 : i32
    %mul3A_21 = arith.constant 2048 : i32
    %mul3A_22 = arith.muli %add3A_7, %mul3A_21 : i32
    "tpu.region"() ({
      %run_scoped3A = tpu.sem_alloc : memref<!tpu.dma_semaphore, #tpu.memory_space<semaphore_mem>>
      %dma_start3A = tpu.memref_slice %arg3[%mul3A_22] : memref<4194304xf32, #tpu.memory_space<hbm>> -> memref<65536xf32, #tpu.memory_space<hbm>>
      %dma_start3A_43 = tpu.memref_slice %arg3[%mul3A_22] : memref<4194304xf32, #tpu.memory_space<hbm>> -> memref<65536xf32, #tpu.memory_space<hbm>>
      tpu.enqueue_dma source(%arg4 : memref<65536xf32, #tpu.memory_space<vmem>>) target(%dma_start3A_43 : memref<65536xf32, #tpu.memory_space<hbm>>) target_semaphore(%run_scoped3A : memref<!tpu.dma_semaphore, #tpu.memory_space<semaphore_mem>>)
      %dma_wait3A = tpu.memref_slice %arg3[%mul3A_22] : memref<4194304xf32, #tpu.memory_space<hbm>> -> memref<65536xf32, #tpu.memory_space<hbm>>
      %dma_wait3A_44 = tpu.memref_slice %arg3[%mul3A_22] : memref<4194304xf32, #tpu.memory_space<hbm>> -> memref<65536xf32, #tpu.memory_space<hbm>>
      tpu.wait_dma2 semaphore(%run_scoped3A : memref<!tpu.dma_semaphore, #tpu.memory_space<semaphore_mem>>) src(%arg4 : memref<65536xf32, #tpu.memory_space<vmem>>) dst(%dma_wait3A_44 : memref<65536xf32, #tpu.memory_space<hbm>>)
      tpu.yield
    }) : () -> ()
    %mul3A_23 = arith.constant 64 : i32
    %mul3A_24 = arith.muli %add3A, %mul3A_23 : i32
    %add3A_25 = arith.constant 32 : i32
    %add3A_26 = arith.addi %mul3A_24, %add3A_25 : i32
    %scan3A_27 = arith.constant 0 : i32
    %scan3A_28 = arith.constant 0 : i32
    %scan3A_29 = arith.constant 4096 : i32
    %scan3A_30 = arith.addi %scan3A_28, %scan3A_29 : i32
    %scan3A_31 = arith.constant 1 : i32
    %scan3A_32 = scf.for %scan3A_43 = %scan3A_28 to %scan3A_30 step %scan3A_31 iter_args(%scan3A_44 = %scan3A_27) -> (i32)  : i32 {
      %mul3A_45 = arith.constant 16 : i32
      %mul3A_46 = arith.muli %scan3A_43, %mul3A_45 : i32
      %multiple_of3A = tpu.assume_multiple %mul3A_46, 16 : i32
      %swap3A = arith.index_cast %multiple_of3A : i32 to index
      %swap3A_47 = tpu.vector_load %arg4[%swap3A] {strides = array<i32>} : memref<65536xf32, #tpu.memory_space<vmem>>, vector<16xf32>,
      tpu.vector_store %arg4[%swap3A], %broadcast_in_dim3A_3 {strides = array<i32>} : memref<65536xf32, #tpu.memory_space<vmem>>, vector<16xf32>,
      %scan3A_48 = arith.constant 0 : i32
      scf.yield %scan3A_48 : i32
    }
    %scan3A_33 = arith.constant 4096 : i32
    %scan3A_34 = arith.constant 0 : i32
    %scan3A_35 = arith.constant 0 : i32
    %scan3A_36 = arith.constant 8 : i32
    %scan3A_37 = arith.addi %scan3A_35, %scan3A_36 : i32
    %scan3A_38 = arith.constant 1 : i32
    %scan3A_39 = scf.for %scan3A_43 = %scan3A_35 to %scan3A_37 step %scan3A_38 iter_args(%scan3A_44 = %scan3A_34) -> (i32)  : i32 {
      "tpu.region"() ({
        %run_scoped3A = tpu.sem_alloc : memref<!tpu.dma_semaphore, #tpu.memory_space<semaphore_mem>>
        %dma_start3A = arith.constant 0 : i32
        %dma_start3A_53 = arith.constant 0 : i32
        %dma_start3A_54 = tpu.memref_slice %arg2[%scan3A_43, %dma_start3A, %dma_start3A_53] : memref<8x40x256xi32, #tpu.memory_space<hbm>> -> memref<1x40x256xi32, #tpu.memory_space<hbm>>
        %dma_start3A_55 = tpu.memref_squeeze %dma_start3A_54 : memref<1x40x256xi32, #tpu.memory_space<hbm>> -> memref<40x256xi32, #tpu.memory_space<hbm>>
        %dma_start3A_56 = arith.constant 0 : i32
        %dma_start3A_57 = arith.constant 0 : i32
        %dma_start3A_58 = tpu.memref_slice %arg2[%scan3A_43, %dma_start3A_56, %dma_start3A_57] : memref<8x40x256xi32, #tpu.memory_space<hbm>> -> memref<1x40x256xi32, #tpu.memory_space<hbm>>
        %dma_start3A_59 = tpu.memref_squeeze %dma_start3A_58 : memref<1x40x256xi32, #tpu.memory_space<hbm>> -> memref<40x256xi32, #tpu.memory_space<hbm>>
        tpu.enqueue_dma source(%dma_start3A_59 : memref<40x256xi32, #tpu.memory_space<hbm>>) target(%arg5 : memref<40x256xi32, #tpu.memory_space<vmem>>) target_semaphore(%run_scoped3A : memref<!tpu.dma_semaphore, #tpu.memory_space<semaphore_mem>>)
        %dma_wait3A = arith.constant 0 : i32
        %dma_wait3A_60 = arith.constant 0 : i32
        %dma_wait3A_61 = tpu.memref_slice %arg2[%scan3A_43, %dma_wait3A, %dma_wait3A_60] : memref<8x40x256xi32, #tpu.memory_space<hbm>> -> memref<1x40x256xi32, #tpu.memory_space<hbm>>
        %dma_wait3A_62 = tpu.memref_squeeze %dma_wait3A_61 : memref<1x40x256xi32, #tpu.memory_space<hbm>> -> memref<40x256xi32, #tpu.memory_space<hbm>>
        %dma_wait3A_63 = arith.constant 0 : i32
        %dma_wait3A_64 = arith.constant 0 : i32
        %dma_wait3A_65 = tpu.memref_slice %arg2[%scan3A_43, %dma_wait3A_63, %dma_wait3A_64] : memref<8x40x256xi32, #tpu.memory_space<hbm>> -> memref<1x40x256xi32, #tpu.memory_space<hbm>>
        %dma_wait3A_66 = tpu.memref_squeeze %dma_wait3A_65 : memref<1x40x256xi32, #tpu.memory_space<hbm>> -> memref<40x256xi32, #tpu.memory_space<hbm>>
        tpu.wait_dma2 semaphore(%run_scoped3A : memref<!tpu.dma_semaphore, #tpu.memory_space<semaphore_mem>>) src(%dma_wait3A_66 : memref<40x256xi32, #tpu.memory_space<hbm>>) dst(%arg5 : memref<40x256xi32, #tpu.memory_space<vmem>>)
        tpu.yield
      }) : () -> ()
      %scan3A_45 = arith.constant 0 : i32
      %scan3A_46 = arith.constant 0 : i32
      %scan3A_47 = arith.constant 40 : i32
      %scan3A_48 = arith.addi %scan3A_46, %scan3A_47 : i32
      %scan3A_49 = arith.constant 1 : i32
      %scan3A_50 = scf.for %scan3A_53 = %scan3A_46 to %scan3A_48 step %scan3A_49 iter_args(%scan3A_54 = %scan3A_45) -> (i32)  : i32 {
        %scan3A_55 = arith.constant 0 : i32
        %scan3A_56 = arith.constant 0 : i32
        %scan3A_57 = arith.constant 16 : i32
        %scan3A_58 = arith.addi %scan3A_56, %scan3A_57 : i32
        %scan3A_59 = arith.constant 1 : i32
        %scan3A_60 = scf.for %scan3A_63 = %scan3A_56 to %scan3A_58 step %scan3A_59 iter_args(%scan3A_64 = %scan3A_55) -> (i32)  : i32 {
          %mul3A_65 = arith.constant 16 : i32
          %mul3A_66 = arith.muli %scan3A_63, %mul3A_65 : i32
          %multiple_of3A = tpu.assume_multiple %mul3A_66, 16 : i32
          %get3A = arith.index_cast %scan3A_53 : i32 to index
          %get3A_67 = arith.index_cast %multiple_of3A : i32 to index
          %get3A_68 = tpu.vector_load %arg5[%get3A, %get3A_67] {strides = array<i32>} : memref<40x256xi32, #tpu.memory_space<vmem>>, vector<16xi32>,
          %ge3A = vector.broadcast %add3A_26 : i32 to vector<16xi32>
          %ge3A_69 = arith.cmpi sge, %get3A_68, %ge3A : vector<16xi32>
          %add3A_70 = arith.constant 32 : i32
          %add3A_71 = arith.addi %add3A_26, %add3A_70 : i32
          %lt3A = vector.broadcast %add3A_71 : i32 to vector<16xi32>
          %lt3A_72 = arith.cmpi slt, %get3A_68, %lt3A : vector<16xi32>
          %and3A = arith.andi %ge3A_69, %lt3A_72 : vector<16xi1>
          %sub3A = vector.broadcast %add3A_26 : i32 to vector<16xi32>
          %sub3A_73 = arith.subi %get3A_68, %sub3A : vector<16xi32>
          %jit3A = arith.constant 0 : i32
          %broadcast_in_dim3A_74 = vector.broadcast %jit3A : i32 to vector<16xi32>
          %select_n3A = arith.select %and3A, %sub3A_73, %broadcast_in_dim3A_74 : vector<16xi1>, vector<16xi32>
          %mul3A_75 = arith.constant 2048 : i32
          %mul3A_76 = vector.broadcast %mul3A_75 : i32 to vector<16xi32>
          %mul3A_77 = arith.muli %select_n3A, %mul3A_76 : vector<16xi32>
          %mul3A_78 = arith.constant 256 : i32
          %mul3A_79 = arith.muli %scan3A_43, %mul3A_78 : i32
          %add3A_80 = vector.broadcast %mul3A_79 : i32 to vector<16xi32>
          %add3A_81 = arith.addi %mul3A_77, %add3A_80 : vector<16xi32>
          %add3A_82 = vector.broadcast %multiple_of3A : i32 to vector<16xi32>
          %add3A_83 = arith.addi %add3A_81, %add3A_82 : vector<16xi32>
          %add3A_84 = arith.addi %add3A_83, %iota3A : vector<16xi32>
          %jit3A_85 = arith.constant 0.000000e+00 : f32
          %broadcast_in_dim3A_86 = vector.broadcast %jit3A_85 : f32 to vector<16xf32>
          %select_n3A_87 = arith.select %and3A, %broadcast_in_dim3A_1, %broadcast_in_dim3A_86 : vector<16xi1>, vector<16xf32>
          tpu.vector_store_idx %arg4[%add3A_84], %select_n3A_87 {add = true} : memref<65536xf32, #tpu.memory_space<vmem>>[vector<16xi32>], vector<16xf32>,
          %scan3A_88 = arith.constant 0 : i32
          scf.yield %scan3A_88 : i32
        }
        %scan3A_61 = arith.constant 16 : i32
        %scan3A_62 = arith.constant 0 : i32
        scf.yield %scan3A_62 : i32
      }
      %scan3A_51 = arith.constant 40 : i32
      %scan3A_52 = arith.constant 0 : i32
      scf.yield %scan3A_52 : i32
    }
    %scan3A_40 = arith.constant 8 : i32
    %mul3A_41 = arith.constant 2048 : i32
    %mul3A_42 = arith.muli %add3A_26, %mul3A_41 : i32
    "tpu.region"() ({
      %run_scoped3A = tpu.sem_alloc : memref<!tpu.dma_semaphore, #tpu.memory_space<semaphore_mem>>
      %dma_start3A = tpu.memref_slice %arg3[%mul3A_42] : memref<4194304xf32, #tpu.memory_space<hbm>> -> memref<65536xf32, #tpu.memory_space<hbm>>
      %dma_start3A_43 = tpu.memref_slice %arg3[%mul3A_42] : memref<4194304xf32, #tpu.memory_space<hbm>> -> memref<65536xf32, #tpu.memory_space<hbm>>
      tpu.enqueue_dma source(%arg4 : memref<65536xf32, #tpu.memory_space<vmem>>) target(%dma_start3A_43 : memref<65536xf32, #tpu.memory_space<hbm>>) target_semaphore(%run_scoped3A : memref<!tpu.dma_semaphore, #tpu.memory_space<semaphore_mem>>)
      %dma_wait3A = tpu.memref_slice %arg3[%mul3A_42] : memref<4194304xf32, #tpu.memory_space<hbm>> -> memref<65536xf32, #tpu.memory_space<hbm>>
      %dma_wait3A_44 = tpu.memref_slice %arg3[%mul3A_42] : memref<4194304xf32, #tpu.memory_space<hbm>> -> memref<65536xf32, #tpu.memory_space<hbm>>
      tpu.wait_dma2 semaphore(%run_scoped3A : memref<!tpu.dma_semaphore, #tpu.memory_space<semaphore_mem>>) src(%arg4 : memref<65536xf32, #tpu.memory_space<vmem>>) dst(%dma_wait3A_44 : memref<65536xf32, #tpu.memory_space<hbm>>)
      tpu.yield
    }) : () -> ()
    return
  }
}

module attributes {stable_mosaic.version = 14 : i64} {
  func.func @_lambda_(%arg0: i32, %arg1: memref<2048x2048xf32, #tpu.memory_space<vmem>>, %arg2: memref<1x2048xi32, #tpu.memory_space<vmem>>, %arg3: memref<1x2048x64xf32, #tpu.memory_space<vmem>>, %arg4: memref<1x2048x64xf32, #tpu.memory_space<vmem>>, %arg5: memref<1x2048x64xf32, #tpu.memory_space<vmem>>, %arg6: memref<1x40x64xf32, #tpu.memory_space<vmem>>, %arg7: memref<16x2048xf32, #tpu.memory_space<vmem>>, %arg8: memref<16x40x2048xf32, #tpu.memory_space<vmem>>) attributes {dimension_semantics = [#tpu.dimension_semantics<arbitrary>], iteration_bounds = array<i64: 32>, scalar_prefetch = 0 : i64, scratch_operands = 2 : i64, tpu.core_type = #tpu.core_type<tc>, window_params = [{pipeline_mode = #tpu.pipeline_mode<synchronous>, transform_indices = @transform_0, window_bounds = array<i64: 2048, 2048>}, {transform_indices = @transform_1, window_bounds = array<i64: 1, 2048>}, {transform_indices = @transform_2, window_bounds = array<i64: 1, 2048, 64>}, {transform_indices = @transform_3, window_bounds = array<i64: 1, 2048, 64>}, {transform_indices = @transform_4, window_bounds = array<i64: 1, 2048, 64>}, {transform_indices = @transform_5, window_bounds = array<i64: 1, 40, 64>}]} {
    %lt3A = arith.constant 16 : i32
    %lt3A_0 = arith.cmpi slt, %arg0, %lt3A : i32
    %convert_element_type3A = arith.extui %lt3A_0 : i1 to i32
    %cond3A = arith.constant 0 : i32
    %cond3A_1 = arith.cmpi ne, %convert_element_type3A, %cond3A : i32
    scf.if %cond3A_1 {
      %get3A = arith.constant 0 : index
      %get3A_10 = arith.constant 0 : index
      %get3A_11 = arith.constant 0 : index
      %get3A_12 = vector.load %arg3[%get3A, %get3A_10, %get3A_11] : memref<1x2048x64xf32, #tpu.memory_space<vmem>>, vector<1x2048x64xf32>
      %get3A_13 = vector.shape_cast %get3A_12 : vector<1x2048x64xf32> to vector<2048x64xf32>
      %get3A_14 = arith.constant 0 : index
      %get3A_15 = arith.constant 0 : index
      %get3A_16 = arith.constant 0 : index
      %get3A_17 = vector.load %arg4[%get3A_14, %get3A_15, %get3A_16] : memref<1x2048x64xf32, #tpu.memory_space<vmem>>, vector<1x2048x64xf32>
      %get3A_18 = vector.shape_cast %get3A_17 : vector<1x2048x64xf32> to vector<2048x64xf32>
      %slice3A = vector.extract_strided_slice %get3A_13 {offsets = [0, 0], sizes = [512, 64], strides = [1, 1]} : vector<2048x64xf32> to vector<512x64xf32>
      %dot_general3A = arith.constant dense<0.000000e+00> : vector<2048x512xf32>
      %dot_general3A_19 = tpu.matmul %get3A_18, %slice3A, %dot_general3A {dimension_numbers = #tpu.dot_dimension_numbers<[1], [1], [0], [0], [0, 0, 1, 0], [], []>, transpose_lhs_hint = false} : vector<2048x64xf32>, vector<512x64xf32>, vector<2048x512xf32> -> vector<2048x512xf32>
      %get3A_20 = arith.constant 0 : index
      %get3A_21 = arith.constant 0 : index
      %get3A_22 = vector.load %arg1[%get3A_20, %get3A_21] : memref<2048x2048xf32, #tpu.memory_space<vmem>>, vector<2048x512xf32>
      %gt3A = arith.constant 0.000000e+00 : f32
      %gt3A_23 = vector.broadcast %gt3A : f32 to vector<2048x512xf32>
      %gt3A_24 = arith.cmpf ogt, %get3A_22, %gt3A_23 : vector<2048x512xf32>
      %jit3A = arith.constant 0xFF800000 : f32
      %broadcast_in_dim3A = vector.broadcast %jit3A : f32 to vector<2048x512xf32>
      %select_n3A = arith.select %gt3A_24, %dot_general3A_19, %broadcast_in_dim3A : vector<2048x512xi1>, vector<2048x512xf32>
      %reduce_max3A = arith.constant dense<0xFF800000> : vector<512xf32>
      %reduce_max3A_25 = vector.multi_reduction <maximumf>, %select_n3A, %reduce_max3A [0] : vector<2048x512xf32> to vector<512xf32>
      %broadcast_in_dim3A_26 = vector.shape_cast %reduce_max3A_25 : vector<512xf32> to vector<1x512xf32>
      %mul3A = arith.mulf %dot_general3A_19, %get3A_22 : vector<2048x512xf32>
      %reduce_sum3A = arith.constant dense<0.000000e+00> : vector<512xf32>
      %reduce_sum3A_27 = vector.multi_reduction <add>, %mul3A, %reduce_sum3A [0] : vector<2048x512xf32> to vector<512xf32>
      %broadcast_in_dim3A_28 = vector.shape_cast %reduce_sum3A_27 : vector<512xf32> to vector<1x512xf32>
      %mul3A_29 = arith.constant 4.8828125E-4 : f32
      %mul3A_30 = vector.broadcast %mul3A_29 : f32 to vector<1x512xf32>
      %mul3A_31 = arith.mulf %broadcast_in_dim3A_28, %mul3A_30 : vector<1x512xf32>
      %sub3A = arith.subf %broadcast_in_dim3A_26, %mul3A_31 : vector<1x512xf32>
      %swap3A = arith.index_cast %arg0 : i32 to index
      %swap3A_32 = arith.constant 0 : index
      %swap3A_33 = vector.load %arg7[%swap3A, %swap3A_32] : memref<16x2048xf32, #tpu.memory_space<vmem>>, vector<1x512xf32>
      tpu.vector_store %arg7[%swap3A, %swap3A_32], %sub3A {strides = array<i32>} : memref<16x2048xf32, #tpu.memory_space<vmem>>, vector<1x512xf32>,
      %slice3A_34 = vector.extract_strided_slice %get3A_13 {offsets = [512, 0], sizes = [512, 64], strides = [1, 1]} : vector<2048x64xf32> to vector<512x64xf32>
      %dot_general3A_35 = arith.constant dense<0.000000e+00> : vector<2048x512xf32>
      %dot_general3A_36 = tpu.matmul %get3A_18, %slice3A_34, %dot_general3A_35 {dimension_numbers = #tpu.dot_dimension_numbers<[1], [1], [0], [0], [0, 0, 1, 0], [], []>, transpose_lhs_hint = false} : vector<2048x64xf32>, vector<512x64xf32>, vector<2048x512xf32> -> vector<2048x512xf32>
      %get3A_37 = arith.constant 0 : index
      %get3A_38 = arith.constant 512 : index
      %get3A_39 = vector.load %arg1[%get3A_37, %get3A_38] : memref<2048x2048xf32, #tpu.memory_space<vmem>>, vector<2048x512xf32>
      %gt3A_40 = arith.constant 0.000000e+00 : f32
      %gt3A_41 = vector.broadcast %gt3A_40 : f32 to vector<2048x512xf32>
      %gt3A_42 = arith.cmpf ogt, %get3A_39, %gt3A_41 : vector<2048x512xf32>
      %jit3A_43 = arith.constant 0xFF800000 : f32
      %broadcast_in_dim3A_44 = vector.broadcast %jit3A_43 : f32 to vector<2048x512xf32>
      %select_n3A_45 = arith.select %gt3A_42, %dot_general3A_36, %broadcast_in_dim3A_44 : vector<2048x512xi1>, vector<2048x512xf32>
      %reduce_max3A_46 = arith.constant dense<0xFF800000> : vector<512xf32>
      %reduce_max3A_47 = vector.multi_reduction <maximumf>, %select_n3A_45, %reduce_max3A_46 [0] : vector<2048x512xf32> to vector<512xf32>
      %broadcast_in_dim3A_48 = vector.shape_cast %reduce_max3A_47 : vector<512xf32> to vector<1x512xf32>
      %mul3A_49 = arith.mulf %dot_general3A_36, %get3A_39 : vector<2048x512xf32>
      %reduce_sum3A_50 = arith.constant dense<0.000000e+00> : vector<512xf32>
      %reduce_sum3A_51 = vector.multi_reduction <add>, %mul3A_49, %reduce_sum3A_50 [0] : vector<2048x512xf32> to vector<512xf32>
      %broadcast_in_dim3A_52 = vector.shape_cast %reduce_sum3A_51 : vector<512xf32> to vector<1x512xf32>
      %mul3A_53 = arith.constant 4.8828125E-4 : f32
      %mul3A_54 = vector.broadcast %mul3A_53 : f32 to vector<1x512xf32>
      %mul3A_55 = arith.mulf %broadcast_in_dim3A_52, %mul3A_54 : vector<1x512xf32>
      %sub3A_56 = arith.subf %broadcast_in_dim3A_48, %mul3A_55 : vector<1x512xf32>
      %swap3A_57 = arith.index_cast %arg0 : i32 to index
      %swap3A_58 = arith.constant 512 : index
      %swap3A_59 = vector.load %arg7[%swap3A_57, %swap3A_58] : memref<16x2048xf32, #tpu.memory_space<vmem>>, vector<1x512xf32>
      tpu.vector_store %arg7[%swap3A_57, %swap3A_58], %sub3A_56 {strides = array<i32>} : memref<16x2048xf32, #tpu.memory_space<vmem>>, vector<1x512xf32>,
      %slice3A_60 = vector.extract_strided_slice %get3A_13 {offsets = [1024, 0], sizes = [512, 64], strides = [1, 1]} : vector<2048x64xf32> to vector<512x64xf32>
      %dot_general3A_61 = arith.constant dense<0.000000e+00> : vector<2048x512xf32>
      %dot_general3A_62 = tpu.matmul %get3A_18, %slice3A_60, %dot_general3A_61 {dimension_numbers = #tpu.dot_dimension_numbers<[1], [1], [0], [0], [0, 0, 1, 0], [], []>, transpose_lhs_hint = false} : vector<2048x64xf32>, vector<512x64xf32>, vector<2048x512xf32> -> vector<2048x512xf32>
      %get3A_63 = arith.constant 0 : index
      %get3A_64 = arith.constant 1024 : index
      %get3A_65 = vector.load %arg1[%get3A_63, %get3A_64] : memref<2048x2048xf32, #tpu.memory_space<vmem>>, vector<2048x512xf32>
      %gt3A_66 = arith.constant 0.000000e+00 : f32
      %gt3A_67 = vector.broadcast %gt3A_66 : f32 to vector<2048x512xf32>
      %gt3A_68 = arith.cmpf ogt, %get3A_65, %gt3A_67 : vector<2048x512xf32>
      %jit3A_69 = arith.constant 0xFF800000 : f32
      %broadcast_in_dim3A_70 = vector.broadcast %jit3A_69 : f32 to vector<2048x512xf32>
      %select_n3A_71 = arith.select %gt3A_68, %dot_general3A_62, %broadcast_in_dim3A_70 : vector<2048x512xi1>, vector<2048x512xf32>
      %reduce_max3A_72 = arith.constant dense<0xFF800000> : vector<512xf32>
      %reduce_max3A_73 = vector.multi_reduction <maximumf>, %select_n3A_71, %reduce_max3A_72 [0] : vector<2048x512xf32> to vector<512xf32>
      %broadcast_in_dim3A_74 = vector.shape_cast %reduce_max3A_73 : vector<512xf32> to vector<1x512xf32>
      %mul3A_75 = arith.mulf %dot_general3A_62, %get3A_65 : vector<2048x512xf32>
      %reduce_sum3A_76 = arith.constant dense<0.000000e+00> : vector<512xf32>
      %reduce_sum3A_77 = vector.multi_reduction <add>, %mul3A_75, %reduce_sum3A_76 [0] : vector<2048x512xf32> to vector<512xf32>
      %broadcast_in_dim3A_78 = vector.shape_cast %reduce_sum3A_77 : vector<512xf32> to vector<1x512xf32>
      %mul3A_79 = arith.constant 4.8828125E-4 : f32
      %mul3A_80 = vector.broadcast %mul3A_79 : f32 to vector<1x512xf32>
      %mul3A_81 = arith.mulf %broadcast_in_dim3A_78, %mul3A_80 : vector<1x512xf32>
      %sub3A_82 = arith.subf %broadcast_in_dim3A_74, %mul3A_81 : vector<1x512xf32>
      %swap3A_83 = arith.index_cast %arg0 : i32 to index
      %swap3A_84 = arith.constant 1024 : index
      %swap3A_85 = vector.load %arg7[%swap3A_83, %swap3A_84] : memref<16x2048xf32, #tpu.memory_space<vmem>>, vector<1x512xf32>
      tpu.vector_store %arg7[%swap3A_83, %swap3A_84], %sub3A_82 {strides = array<i32>} : memref<16x2048xf32, #tpu.memory_space<vmem>>, vector<1x512xf32>,
      %slice3A_86 = vector.extract_strided_slice %get3A_13 {offsets = [1536, 0], sizes = [512, 64], strides = [1, 1]} : vector<2048x64xf32> to vector<512x64xf32>
      %dot_general3A_87 = arith.constant dense<0.000000e+00> : vector<2048x512xf32>
      %dot_general3A_88 = tpu.matmul %get3A_18, %slice3A_86, %dot_general3A_87 {dimension_numbers = #tpu.dot_dimension_numbers<[1], [1], [0], [0], [0, 0, 1, 0], [], []>, transpose_lhs_hint = false} : vector<2048x64xf32>, vector<512x64xf32>, vector<2048x512xf32> -> vector<2048x512xf32>
      %get3A_89 = arith.constant 0 : index
      %get3A_90 = arith.constant 1536 : index
      %get3A_91 = vector.load %arg1[%get3A_89, %get3A_90] : memref<2048x2048xf32, #tpu.memory_space<vmem>>, vector<2048x512xf32>
      %gt3A_92 = arith.constant 0.000000e+00 : f32
      %gt3A_93 = vector.broadcast %gt3A_92 : f32 to vector<2048x512xf32>
      %gt3A_94 = arith.cmpf ogt, %get3A_91, %gt3A_93 : vector<2048x512xf32>
      %jit3A_95 = arith.constant 0xFF800000 : f32
      %broadcast_in_dim3A_96 = vector.broadcast %jit3A_95 : f32 to vector<2048x512xf32>
      %select_n3A_97 = arith.select %gt3A_94, %dot_general3A_88, %broadcast_in_dim3A_96 : vector<2048x512xi1>, vector<2048x512xf32>
      %reduce_max3A_98 = arith.constant dense<0xFF800000> : vector<512xf32>
      %reduce_max3A_99 = vector.multi_reduction <maximumf>, %select_n3A_97, %reduce_max3A_98 [0] : vector<2048x512xf32> to vector<512xf32>
      %broadcast_in_dim3A_100 = vector.shape_cast %reduce_max3A_99 : vector<512xf32> to vector<1x512xf32>
      %mul3A_101 = arith.mulf %dot_general3A_88, %get3A_91 : vector<2048x512xf32>
      %reduce_sum3A_102 = arith.constant dense<0.000000e+00> : vector<512xf32>
      %reduce_sum3A_103 = vector.multi_reduction <add>, %mul3A_101, %reduce_sum3A_102 [0] : vector<2048x512xf32> to vector<512xf32>
      %broadcast_in_dim3A_104 = vector.shape_cast %reduce_sum3A_103 : vector<512xf32> to vector<1x512xf32>
      %mul3A_105 = arith.constant 4.8828125E-4 : f32
      %mul3A_106 = vector.broadcast %mul3A_105 : f32 to vector<1x512xf32>
      %mul3A_107 = arith.mulf %broadcast_in_dim3A_104, %mul3A_106 : vector<1x512xf32>
      %sub3A_108 = arith.subf %broadcast_in_dim3A_100, %mul3A_107 : vector<1x512xf32>
      %swap3A_109 = arith.index_cast %arg0 : i32 to index
      %swap3A_110 = arith.constant 1536 : index
      %swap3A_111 = vector.load %arg7[%swap3A_109, %swap3A_110] : memref<16x2048xf32, #tpu.memory_space<vmem>>, vector<1x512xf32>
      tpu.vector_store %arg7[%swap3A_109, %swap3A_110], %sub3A_108 {strides = array<i32>} : memref<16x2048xf32, #tpu.memory_space<vmem>>, vector<1x512xf32>,
    } else {
    }
    %eq3A = arith.constant 16 : i32
    %eq3A_2 = arith.cmpi eq, %arg0, %eq3A : i32
    %convert_element_type3A_3 = arith.extui %eq3A_2 : i1 to i32
    %cond3A_4 = arith.constant 0 : i32
    %cond3A_5 = arith.cmpi ne, %convert_element_type3A_3, %cond3A_4 : i32
    scf.if %cond3A_5 {
      %iota3A = tpu.iota {dimensions = array<i32: 1>} : vector<16x2048xi32>
      %get3A = arith.constant 0 : index
      %get3A_10 = arith.constant 0 : index
      %get3A_11 = vector.load %arg7[%get3A, %get3A_10] : memref<16x2048xf32, #tpu.memory_space<vmem>>, vector<16x2048xf32>
      %reduce_max3A = arith.constant dense<0xFF800000> : vector<16xf32>
      %reduce_max3A_12 = vector.multi_reduction <maximumf>, %get3A_11, %reduce_max3A [1] : vector<16x2048xf32> to vector<16xf32>
      %broadcast_in_dim3A = vector.shape_cast %reduce_max3A_12 : vector<16xf32> to vector<16x1xf32>
      %eq3A_13 = vector.broadcast %broadcast_in_dim3A : vector<16x1xf32> to vector<16x2048xf32>
      %eq3A_14 = arith.cmpf oeq, %get3A_11, %eq3A_13 : vector<16x2048xf32>
      %jit3A = arith.constant 2048 : i32
      %broadcast_in_dim3A_15 = vector.broadcast %jit3A : i32 to vector<16x2048xi32>
      %select_n3A = arith.select %eq3A_14, %iota3A, %broadcast_in_dim3A_15 : vector<16x2048xi1>, vector<16x2048xi32>
      %reduce_min3A = arith.constant dense<2147483647> : vector<16xi32>
      %reduce_min3A_16 = vector.multi_reduction <minsi>, %select_n3A, %reduce_min3A [1] : vector<16x2048xi32> to vector<16xi32>
      %broadcast_in_dim3A_17 = vector.shape_cast %reduce_min3A_16 : vector<16xi32> to vector<16x1xi32>
      %eq3A_18 = vector.broadcast %broadcast_in_dim3A_17 : vector<16x1xi32> to vector<16x2048xi32>
      %eq3A_19 = arith.cmpi eq, %iota3A, %eq3A_18 : vector<16x2048xi32>
      %convert_element_type3A_20 = arith.extui %eq3A_19 : vector<16x2048xi1> to vector<16x2048xi32>
      %convert_element_type3A_21 = arith.sitofp %convert_element_type3A_20 : vector<16x2048xi32> to vector<16x2048xf32>
      %swap3A = arith.constant 0 : index
      %swap3A_22 = arith.constant 0 : index
      %swap3A_23 = arith.constant 0 : index
      %swap3A_24 = vector.load %arg8[%swap3A, %swap3A_22, %swap3A_23] : memref<16x40x2048xf32, #tpu.memory_space<vmem>>, vector<16x1x2048xf32>
      %swap3A_25 = vector.shape_cast %swap3A_24 : vector<16x1x2048xf32> to vector<16x2048xf32>
      %swap3A_26 = vector.shape_cast %convert_element_type3A_21 : vector<16x2048xf32> to vector<16x1x2048xf32>
      tpu.vector_store %arg8[%swap3A, %swap3A_22, %swap3A_23], %swap3A_26 {strides = array<i32>} : memref<16x40x2048xf32, #tpu.memory_space<vmem>>, vector<16x1x2048xf32>,
      %eq3A_27 = vector.broadcast %broadcast_in_dim3A_17 : vector<16x1xi32> to vector<16x2048xi32>
      %eq3A_28 = arith.cmpi eq, %iota3A, %eq3A_27 : vector<16x2048xi32>
      %jit3A_29 = arith.constant 0xFF800000 : f32
      %broadcast_in_dim3A_30 = vector.broadcast %jit3A_29 : f32 to vector<16x2048xf32>
      %select_n3A_31 = arith.select %eq3A_28, %broadcast_in_dim3A_30, %get3A_11 : vector<16x2048xi1>, vector<16x2048xf32>
      %reduce_max3A_32 = arith.constant dense<0xFF800000> : vector<16xf32>
      %reduce_max3A_33 = vector.multi_reduction <maximumf>, %select_n3A_31, %reduce_max3A_32 [1] : vector<16x2048xf32> to vector<16xf32>
      %broadcast_in_dim3A_34 = vector.shape_cast %reduce_max3A_33 : vector<16xf32> to vector<16x1xf32>
      %eq3A_35 = vector.broadcast %broadcast_in_dim3A_34 : vector<16x1xf32> to vector<16x2048xf32>
      %eq3A_36 = arith.cmpf oeq, %select_n3A_31, %eq3A_35 : vector<16x2048xf32>
      %jit3A_37 = arith.constant 2048 : i32
      %broadcast_in_dim3A_38 = vector.broadcast %jit3A_37 : i32 to vector<16x2048xi32>
      %select_n3A_39 = arith.select %eq3A_36, %iota3A, %broadcast_in_dim3A_38 : vector<16x2048xi1>, vector<16x2048xi32>
      %reduce_min3A_40 = arith.constant dense<2147483647> : vector<16xi32>
      %reduce_min3A_41 = vector.multi_reduction <minsi>, %select_n3A_39, %reduce_min3A_40 [1] : vector<16x2048xi32> to vector<16xi32>
      %broadcast_in_dim3A_42 = vector.shape_cast %reduce_min3A_41 : vector<16xi32> to vector<16x1xi32>
      %eq3A_43 = vector.broadcast %broadcast_in_dim3A_42 : vector<16x1xi32> to vector<16x2048xi32>
      %eq3A_44 = arith.cmpi eq, %iota3A, %eq3A_43 : vector<16x2048xi32>
      %convert_element_type3A_45 = arith.extui %eq3A_44 : vector<16x2048xi1> to vector<16x2048xi32>
      %convert_element_type3A_46 = arith.sitofp %convert_element_type3A_45 : vector<16x2048xi32> to vector<16x2048xf32>
      %swap3A_47 = arith.constant 0 : index
      %swap3A_48 = arith.constant 1 : index
      %swap3A_49 = arith.constant 0 : index
      %swap3A_50 = vector.load %arg8[%swap3A_47, %swap3A_48, %swap3A_49] : memref<16x40x2048xf32, #tpu.memory_space<vmem>>, vector<16x1x2048xf32>
      %swap3A_51 = vector.shape_cast %swap3A_50 : vector<16x1x2048xf32> to vector<16x2048xf32>
      %swap3A_52 = vector.shape_cast %convert_element_type3A_46 : vector<16x2048xf32> to vector<16x1x2048xf32>
      tpu.vector_store %arg8[%swap3A_47, %swap3A_48, %swap3A_49], %swap3A_52 {strides = array<i32>} : memref<16x40x2048xf32, #tpu.memory_space<vmem>>, vector<16x1x2048xf32>,
      %eq3A_53 = vector.broadcast %broadcast_in_dim3A_42 : vector<16x1xi32> to vector<16x2048xi32>
      %eq3A_54 = arith.cmpi eq, %iota3A, %eq3A_53 : vector<16x2048xi32>
      %jit3A_55 = arith.constant 0xFF800000 : f32
      %broadcast_in_dim3A_56 = vector.broadcast %jit3A_55 : f32 to vector<16x2048xf32>
      %select_n3A_57 = arith.select %eq3A_54, %broadcast_in_dim3A_56, %select_n3A_31 : vector<16x2048xi1>, vector<16x2048xf32>
      %reduce_max3A_58 = arith.constant dense<0xFF800000> : vector<16xf32>
      %reduce_max3A_59 = vector.multi_reduction <maximumf>, %select_n3A_57, %reduce_max3A_58 [1] : vector<16x2048xf32> to vector<16xf32>
      %broadcast_in_dim3A_60 = vector.shape_cast %reduce_max3A_59 : vector<16xf32> to vector<16x1xf32>
      %eq3A_61 = vector.broadcast %broadcast_in_dim3A_60 : vector<16x1xf32> to vector<16x2048xf32>
      %eq3A_62 = arith.cmpf oeq, %select_n3A_57, %eq3A_61 : vector<16x2048xf32>
      %jit3A_63 = arith.constant 2048 : i32
      %broadcast_in_dim3A_64 = vector.broadcast %jit3A_63 : i32 to vector<16x2048xi32>
      %select_n3A_65 = arith.select %eq3A_62, %iota3A, %broadcast_in_dim3A_64 : vector<16x2048xi1>, vector<16x2048xi32>
      %reduce_min3A_66 = arith.constant dense<2147483647> : vector<16xi32>
      %reduce_min3A_67 = vector.multi_reduction <minsi>, %select_n3A_65, %reduce_min3A_66 [1] : vector<16x2048xi32> to vector<16xi32>
      %broadcast_in_dim3A_68 = vector.shape_cast %reduce_min3A_67 : vector<16xi32> to vector<16x1xi32>
      %eq3A_69 = vector.broadcast %broadcast_in_dim3A_68 : vector<16x1xi32> to vector<16x2048xi32>
      %eq3A_70 = arith.cmpi eq, %iota3A, %eq3A_69 : vector<16x2048xi32>
      %convert_element_type3A_71 = arith.extui %eq3A_70 : vector<16x2048xi1> to vector<16x2048xi32>
      %convert_element_type3A_72 = arith.sitofp %convert_element_type3A_71 : vector<16x2048xi32> to vector<16x2048xf32>
      %swap3A_73 = arith.constant 0 : index
      %swap3A_74 = arith.constant 2 : index
      %swap3A_75 = arith.constant 0 : index
      %swap3A_76 = vector.load %arg8[%swap3A_73, %swap3A_74, %swap3A_75] : memref<16x40x2048xf32, #tpu.memory_space<vmem>>, vector<16x1x2048xf32>
      %swap3A_77 = vector.shape_cast %swap3A_76 : vector<16x1x2048xf32> to vector<16x2048xf32>
      %swap3A_78 = vector.shape_cast %convert_element_type3A_72 : vector<16x2048xf32> to vector<16x1x2048xf32>
      tpu.vector_store %arg8[%swap3A_73, %swap3A_74, %swap3A_75], %swap3A_78 {strides = array<i32>} : memref<16x40x2048xf32, #tpu.memory_space<vmem>>, vector<16x1x2048xf32>,
      %eq3A_79 = vector.broadcast %broadcast_in_dim3A_68 : vector<16x1xi32> to vector<16x2048xi32>
      %eq3A_80 = arith.cmpi eq, %iota3A, %eq3A_79 : vector<16x2048xi32>
      %jit3A_81 = arith.constant 0xFF800000 : f32
      %broadcast_in_dim3A_82 = vector.broadcast %jit3A_81 : f32 to vector<16x2048xf32>
      %select_n3A_83 = arith.select %eq3A_80, %broadcast_in_dim3A_82, %select_n3A_57 : vector<16x2048xi1>, vector<16x2048xf32>
      %reduce_max3A_84 = arith.constant dense<0xFF800000> : vector<16xf32>
      %reduce_max3A_85 = vector.multi_reduction <maximumf>, %select_n3A_83, %reduce_max3A_84 [1] : vector<16x2048xf32> to vector<16xf32>
      %broadcast_in_dim3A_86 = vector.shape_cast %reduce_max3A_85 : vector<16xf32> to vector<16x1xf32>
      %eq3A_87 = vector.broadcast %broadcast_in_dim3A_86 : vector<16x1xf32> to vector<16x2048xf32>
      %eq3A_88 = arith.cmpf oeq, %select_n3A_83, %eq3A_87 : vector<16x2048xf32>
      %jit3A_89 = arith.constant 2048 : i32
      %broadcast_in_dim3A_90 = vector.broadcast %jit3A_89 : i32 to vector<16x2048xi32>
      %select_n3A_91 = arith.select %eq3A_88, %iota3A, %broadcast_in_dim3A_90 : vector<16x2048xi1>, vector<16x2048xi32>
      %reduce_min3A_92 = arith.constant dense<2147483647> : vector<16xi32>
      %reduce_min3A_93 = vector.multi_reduction <minsi>, %select_n3A_91, %reduce_min3A_92 [1] : vector<16x2048xi32> to vector<16xi32>
      %broadcast_in_dim3A_94 = vector.shape_cast %reduce_min3A_93 : vector<16xi32> to vector<16x1xi32>
      %eq3A_95 = vector.broadcast %broadcast_in_dim3A_94 : vector<16x1xi32> to vector<16x2048xi32>
      %eq3A_96 = arith.cmpi eq, %iota3A, %eq3A_95 : vector<16x2048xi32>
      %convert_element_type3A_97 = arith.extui %eq3A_96 : vector<16x2048xi1> to vector<16x2048xi32>
      %convert_element_type3A_98 = arith.sitofp %convert_element_type3A_97 : vector<16x2048xi32> to vector<16x2048xf32>
      %swap3A_99 = arith.constant 0 : index
      %swap3A_100 = arith.constant 3 : index
      %swap3A_101 = arith.constant 0 : index
      %swap3A_102 = vector.load %arg8[%swap3A_99, %swap3A_100, %swap3A_101] : memref<16x40x2048xf32, #tpu.memory_space<vmem>>, vector<16x1x2048xf32>
      %swap3A_103 = vector.shape_cast %swap3A_102 : vector<16x1x2048xf32> to vector<16x2048xf32>
      %swap3A_104 = vector.shape_cast %convert_element_type3A_98 : vector<16x2048xf32> to vector<16x1x2048xf32>
      tpu.vector_store %arg8[%swap3A_99, %swap3A_100, %swap3A_101], %swap3A_104 {strides = array<i32>} : memref<16x40x2048xf32, #tpu.memory_space<vmem>>, vector<16x1x2048xf32>,
      %eq3A_105 = vector.broadcast %broadcast_in_dim3A_94 : vector<16x1xi32> to vector<16x2048xi32>
      %eq3A_106 = arith.cmpi eq, %iota3A, %eq3A_105 : vector<16x2048xi32>
      %jit3A_107 = arith.constant 0xFF800000 : f32
      %broadcast_in_dim3A_108 = vector.broadcast %jit3A_107 : f32 to vector<16x2048xf32>
      %select_n3A_109 = arith.select %eq3A_106, %broadcast_in_dim3A_108, %select_n3A_83 : vector<16x2048xi1>, vector<16x2048xf32>
      %reduce_max3A_110 = arith.constant dense<0xFF800000> : vector<16xf32>
      %reduce_max3A_111 = vector.multi_reduction <maximumf>, %select_n3A_109, %reduce_max3A_110 [1] : vector<16x2048xf32> to vector<16xf32>
      %broadcast_in_dim3A_112 = vector.shape_cast %reduce_max3A_111 : vector<16xf32> to vector<16x1xf32>
      %eq3A_113 = vector.broadcast %broadcast_in_dim3A_112 : vector<16x1xf32> to vector<16x2048xf32>
      %eq3A_114 = arith.cmpf oeq, %select_n3A_109, %eq3A_113 : vector<16x2048xf32>
      %jit3A_115 = arith.constant 2048 : i32
      %broadcast_in_dim3A_116 = vector.broadcast %jit3A_115 : i32 to vector<16x2048xi32>
      %select_n3A_117 = arith.select %eq3A_114, %iota3A, %broadcast_in_dim3A_116 : vector<16x2048xi1>, vector<16x2048xi32>
      %reduce_min3A_118 = arith.constant dense<2147483647> : vector<16xi32>
      %reduce_min3A_119 = vector.multi_reduction <minsi>, %select_n3A_117, %reduce_min3A_118 [1] : vector<16x2048xi32> to vector<16xi32>
      %broadcast_in_dim3A_120 = vector.shape_cast %reduce_min3A_119 : vector<16xi32> to vector<16x1xi32>
      %eq3A_121 = vector.broadcast %broadcast_in_dim3A_120 : vector<16x1xi32> to vector<16x2048xi32>
      %eq3A_122 = arith.cmpi eq, %iota3A, %eq3A_121 : vector<16x2048xi32>
      %convert_element_type3A_123 = arith.extui %eq3A_122 : vector<16x2048xi1> to vector<16x2048xi32>
      %convert_element_type3A_124 = arith.sitofp %convert_element_type3A_123 : vector<16x2048xi32> to vector<16x2048xf32>
      %swap3A_125 = arith.constant 0 : index
      %swap3A_126 = arith.constant 4 : index
      %swap3A_127 = arith.constant 0 : index
      %swap3A_128 = vector.load %arg8[%swap3A_125, %swap3A_126, %swap3A_127] : memref<16x40x2048xf32, #tpu.memory_space<vmem>>, vector<16x1x2048xf32>
      %swap3A_129 = vector.shape_cast %swap3A_128 : vector<16x1x2048xf32> to vector<16x2048xf32>
      %swap3A_130 = vector.shape_cast %convert_element_type3A_124 : vector<16x2048xf32> to vector<16x1x2048xf32>
      tpu.vector_store %arg8[%swap3A_125, %swap3A_126, %swap3A_127], %swap3A_130 {strides = array<i32>} : memref<16x40x2048xf32, #tpu.memory_space<vmem>>, vector<16x1x2048xf32>,
      %eq3A_131 = vector.broadcast %broadcast_in_dim3A_120 : vector<16x1xi32> to vector<16x2048xi32>
      %eq3A_132 = arith.cmpi eq, %iota3A, %eq3A_131 : vector<16x2048xi32>
      %jit3A_133 = arith.constant 0xFF800000 : f32
      %broadcast_in_dim3A_134 = vector.broadcast %jit3A_133 : f32 to vector<16x2048xf32>
      %select_n3A_135 = arith.select %eq3A_132, %broadcast_in_dim3A_134, %select_n3A_109 : vector<16x2048xi1>, vector<16x2048xf32>
      %reduce_max3A_136 = arith.constant dense<0xFF800000> : vector<16xf32>
      %reduce_max3A_137 = vector.multi_reduction <maximumf>, %select_n3A_135, %reduce_max3A_136 [1] : vector<16x2048xf32> to vector<16xf32>
      %broadcast_in_dim3A_138 = vector.shape_cast %reduce_max3A_137 : vector<16xf32> to vector<16x1xf32>
      %eq3A_139 = vector.broadcast %broadcast_in_dim3A_138 : vector<16x1xf32> to vector<16x2048xf32>
      %eq3A_140 = arith.cmpf oeq, %select_n3A_135, %eq3A_139 : vector<16x2048xf32>
      %jit3A_141 = arith.constant 2048 : i32
      %broadcast_in_dim3A_142 = vector.broadcast %jit3A_141 : i32 to vector<16x2048xi32>
      %select_n3A_143 = arith.select %eq3A_140, %iota3A, %broadcast_in_dim3A_142 : vector<16x2048xi1>, vector<16x2048xi32>
      %reduce_min3A_144 = arith.constant dense<2147483647> : vector<16xi32>
      %reduce_min3A_145 = vector.multi_reduction <minsi>, %select_n3A_143, %reduce_min3A_144 [1] : vector<16x2048xi32> to vector<16xi32>
      %broadcast_in_dim3A_146 = vector.shape_cast %reduce_min3A_145 : vector<16xi32> to vector<16x1xi32>
      %eq3A_147 = vector.broadcast %broadcast_in_dim3A_146 : vector<16x1xi32> to vector<16x2048xi32>
      %eq3A_148 = arith.cmpi eq, %iota3A, %eq3A_147 : vector<16x2048xi32>
      %convert_element_type3A_149 = arith.extui %eq3A_148 : vector<16x2048xi1> to vector<16x2048xi32>
      %convert_element_type3A_150 = arith.sitofp %convert_element_type3A_149 : vector<16x2048xi32> to vector<16x2048xf32>
      %swap3A_151 = arith.constant 0 : index
      %swap3A_152 = arith.constant 5 : index
      %swap3A_153 = arith.constant 0 : index
      %swap3A_154 = vector.load %arg8[%swap3A_151, %swap3A_152, %swap3A_153] : memref<16x40x2048xf32, #tpu.memory_space<vmem>>, vector<16x1x2048xf32>
      %swap3A_155 = vector.shape_cast %swap3A_154 : vector<16x1x2048xf32> to vector<16x2048xf32>
      %swap3A_156 = vector.shape_cast %convert_element_type3A_150 : vector<16x2048xf32> to vector<16x1x2048xf32>
      tpu.vector_store %arg8[%swap3A_151, %swap3A_152, %swap3A_153], %swap3A_156 {strides = array<i32>} : memref<16x40x2048xf32, #tpu.memory_space<vmem>>, vector<16x1x2048xf32>,
      %eq3A_157 = vector.broadcast %broadcast_in_dim3A_146 : vector<16x1xi32> to vector<16x2048xi32>
      %eq3A_158 = arith.cmpi eq, %iota3A, %eq3A_157 : vector<16x2048xi32>
      %jit3A_159 = arith.constant 0xFF800000 : f32
      %broadcast_in_dim3A_160 = vector.broadcast %jit3A_159 : f32 to vector<16x2048xf32>
      %select_n3A_161 = arith.select %eq3A_158, %broadcast_in_dim3A_160, %select_n3A_135 : vector<16x2048xi1>, vector<16x2048xf32>
      %reduce_max3A_162 = arith.constant dense<0xFF800000> : vector<16xf32>
      %reduce_max3A_163 = vector.multi_reduction <maximumf>, %select_n3A_161, %reduce_max3A_162 [1] : vector<16x2048xf32> to vector<16xf32>
      %broadcast_in_dim3A_164 = vector.shape_cast %reduce_max3A_163 : vector<16xf32> to vector<16x1xf32>
      %eq3A_165 = vector.broadcast %broadcast_in_dim3A_164 : vector<16x1xf32> to vector<16x2048xf32>
      %eq3A_166 = arith.cmpf oeq, %select_n3A_161, %eq3A_165 : vector<16x2048xf32>
      %jit3A_167 = arith.constant 2048 : i32
      %broadcast_in_dim3A_168 = vector.broadcast %jit3A_167 : i32 to vector<16x2048xi32>
      %select_n3A_169 = arith.select %eq3A_166, %iota3A, %broadcast_in_dim3A_168 : vector<16x2048xi1>, vector<16x2048xi32>
      %reduce_min3A_170 = arith.constant dense<2147483647> : vector<16xi32>
      %reduce_min3A_171 = vector.multi_reduction <minsi>, %select_n3A_169, %reduce_min3A_170 [1] : vector<16x2048xi32> to vector<16xi32>
      %broadcast_in_dim3A_172 = vector.shape_cast %reduce_min3A_171 : vector<16xi32> to vector<16x1xi32>
      %eq3A_173 = vector.broadcast %broadcast_in_dim3A_172 : vector<16x1xi32> to vector<16x2048xi32>
      %eq3A_174 = arith.cmpi eq, %iota3A, %eq3A_173 : vector<16x2048xi32>
      %convert_element_type3A_175 = arith.extui %eq3A_174 : vector<16x2048xi1> to vector<16x2048xi32>
      %convert_element_type3A_176 = arith.sitofp %convert_element_type3A_175 : vector<16x2048xi32> to vector<16x2048xf32>
      %swap3A_177 = arith.constant 0 : index
      %swap3A_178 = arith.constant 6 : index
      %swap3A_179 = arith.constant 0 : index
      %swap3A_180 = vector.load %arg8[%swap3A_177, %swap3A_178, %swap3A_179] : memref<16x40x2048xf32, #tpu.memory_space<vmem>>, vector<16x1x2048xf32>
      %swap3A_181 = vector.shape_cast %swap3A_180 : vector<16x1x2048xf32> to vector<16x2048xf32>
      %swap3A_182 = vector.shape_cast %convert_element_type3A_176 : vector<16x2048xf32> to vector<16x1x2048xf32>
      tpu.vector_store %arg8[%swap3A_177, %swap3A_178, %swap3A_179], %swap3A_182 {strides = array<i32>} : memref<16x40x2048xf32, #tpu.memory_space<vmem>>, vector<16x1x2048xf32>,
      %eq3A_183 = vector.broadcast %broadcast_in_dim3A_172 : vector<16x1xi32> to vector<16x2048xi32>
      %eq3A_184 = arith.cmpi eq, %iota3A, %eq3A_183 : vector<16x2048xi32>
      %jit3A_185 = arith.constant 0xFF800000 : f32
      %broadcast_in_dim3A_186 = vector.broadcast %jit3A_185 : f32 to vector<16x2048xf32>
      %select_n3A_187 = arith.select %eq3A_184, %broadcast_in_dim3A_186, %select_n3A_161 : vector<16x2048xi1>, vector<16x2048xf32>
      %reduce_max3A_188 = arith.constant dense<0xFF800000> : vector<16xf32>
      %reduce_max3A_189 = vector.multi_reduction <maximumf>, %select_n3A_187, %reduce_max3A_188 [1] : vector<16x2048xf32> to vector<16xf32>
      %broadcast_in_dim3A_190 = vector.shape_cast %reduce_max3A_189 : vector<16xf32> to vector<16x1xf32>
      %eq3A_191 = vector.broadcast %broadcast_in_dim3A_190 : vector<16x1xf32> to vector<16x2048xf32>
      %eq3A_192 = arith.cmpf oeq, %select_n3A_187, %eq3A_191 : vector<16x2048xf32>
      %jit3A_193 = arith.constant 2048 : i32
      %broadcast_in_dim3A_194 = vector.broadcast %jit3A_193 : i32 to vector<16x2048xi32>
      %select_n3A_195 = arith.select %eq3A_192, %iota3A, %broadcast_in_dim3A_194 : vector<16x2048xi1>, vector<16x2048xi32>
      %reduce_min3A_196 = arith.constant dense<2147483647> : vector<16xi32>
      %reduce_min3A_197 = vector.multi_reduction <minsi>, %select_n3A_195, %reduce_min3A_196 [1] : vector<16x2048xi32> to vector<16xi32>
      %broadcast_in_dim3A_198 = vector.shape_cast %reduce_min3A_197 : vector<16xi32> to vector<16x1xi32>
      %eq3A_199 = vector.broadcast %broadcast_in_dim3A_198 : vector<16x1xi32> to vector<16x2048xi32>
      %eq3A_200 = arith.cmpi eq, %iota3A, %eq3A_199 : vector<16x2048xi32>
      %convert_element_type3A_201 = arith.extui %eq3A_200 : vector<16x2048xi1> to vector<16x2048xi32>
      %convert_element_type3A_202 = arith.sitofp %convert_element_type3A_201 : vector<16x2048xi32> to vector<16x2048xf32>
      %swap3A_203 = arith.constant 0 : index
      %swap3A_204 = arith.constant 7 : index
      %swap3A_205 = arith.constant 0 : index
      %swap3A_206 = vector.load %arg8[%swap3A_203, %swap3A_204, %swap3A_205] : memref<16x40x2048xf32, #tpu.memory_space<vmem>>, vector<16x1x2048xf32>
      %swap3A_207 = vector.shape_cast %swap3A_206 : vector<16x1x2048xf32> to vector<16x2048xf32>
      %swap3A_208 = vector.shape_cast %convert_element_type3A_202 : vector<16x2048xf32> to vector<16x1x2048xf32>
      tpu.vector_store %arg8[%swap3A_203, %swap3A_204, %swap3A_205], %swap3A_208 {strides = array<i32>} : memref<16x40x2048xf32, #tpu.memory_space<vmem>>, vector<16x1x2048xf32>,
      %eq3A_209 = vector.broadcast %broadcast_in_dim3A_198 : vector<16x1xi32> to vector<16x2048xi32>
      %eq3A_210 = arith.cmpi eq, %iota3A, %eq3A_209 : vector<16x2048xi32>
      %jit3A_211 = arith.constant 0xFF800000 : f32
      %broadcast_in_dim3A_212 = vector.broadcast %jit3A_211 : f32 to vector<16x2048xf32>
      %select_n3A_213 = arith.select %eq3A_210, %broadcast_in_dim3A_212, %select_n3A_187 : vector<16x2048xi1>, vector<16x2048xf32>
      %reduce_max3A_214 = arith.constant dense<0xFF800000> : vector<16xf32>
      %reduce_max3A_215 = vector.multi_reduction <maximumf>, %select_n3A_213, %reduce_max3A_214 [1] : vector<16x2048xf32> to vector<16xf32>
      %broadcast_in_dim3A_216 = vector.shape_cast %reduce_max3A_215 : vector<16xf32> to vector<16x1xf32>
      %eq3A_217 = vector.broadcast %broadcast_in_dim3A_216 : vector<16x1xf32> to vector<16x2048xf32>
      %eq3A_218 = arith.cmpf oeq, %select_n3A_213, %eq3A_217 : vector<16x2048xf32>
      %jit3A_219 = arith.constant 2048 : i32
      %broadcast_in_dim3A_220 = vector.broadcast %jit3A_219 : i32 to vector<16x2048xi32>
      %select_n3A_221 = arith.select %eq3A_218, %iota3A, %broadcast_in_dim3A_220 : vector<16x2048xi1>, vector<16x2048xi32>
      %reduce_min3A_222 = arith.constant dense<2147483647> : vector<16xi32>
      %reduce_min3A_223 = vector.multi_reduction <minsi>, %select_n3A_221, %reduce_min3A_222 [1] : vector<16x2048xi32> to vector<16xi32>
      %broadcast_in_dim3A_224 = vector.shape_cast %reduce_min3A_223 : vector<16xi32> to vector<16x1xi32>
      %eq3A_225 = vector.broadcast %broadcast_in_dim3A_224 : vector<16x1xi32> to vector<16x2048xi32>
      %eq3A_226 = arith.cmpi eq, %iota3A, %eq3A_225 : vector<16x2048xi32>
      %convert_element_type3A_227 = arith.extui %eq3A_226 : vector<16x2048xi1> to vector<16x2048xi32>
      %convert_element_type3A_228 = arith.sitofp %convert_element_type3A_227 : vector<16x2048xi32> to vector<16x2048xf32>
      %swap3A_229 = arith.constant 0 : index
      %swap3A_230 = arith.constant 8 : index
      %swap3A_231 = arith.constant 0 : index
      %swap3A_232 = vector.load %arg8[%swap3A_229, %swap3A_230, %swap3A_231] : memref<16x40x2048xf32, #tpu.memory_space<vmem>>, vector<16x1x2048xf32>
      %swap3A_233 = vector.shape_cast %swap3A_232 : vector<16x1x2048xf32> to vector<16x2048xf32>
      %swap3A_234 = vector.shape_cast %convert_element_type3A_228 : vector<16x2048xf32> to vector<16x1x2048xf32>
      tpu.vector_store %arg8[%swap3A_229, %swap3A_230, %swap3A_231], %swap3A_234 {strides = array<i32>} : memref<16x40x2048xf32, #tpu.memory_space<vmem>>, vector<16x1x2048xf32>,
      %eq3A_235 = vector.broadcast %broadcast_in_dim3A_224 : vector<16x1xi32> to vector<16x2048xi32>
      %eq3A_236 = arith.cmpi eq, %iota3A, %eq3A_235 : vector<16x2048xi32>
      %jit3A_237 = arith.constant 0xFF800000 : f32
      %broadcast_in_dim3A_238 = vector.broadcast %jit3A_237 : f32 to vector<16x2048xf32>
      %select_n3A_239 = arith.select %eq3A_236, %broadcast_in_dim3A_238, %select_n3A_213 : vector<16x2048xi1>, vector<16x2048xf32>
      %reduce_max3A_240 = arith.constant dense<0xFF800000> : vector<16xf32>
      %reduce_max3A_241 = vector.multi_reduction <maximumf>, %select_n3A_239, %reduce_max3A_240 [1] : vector<16x2048xf32> to vector<16xf32>
      %broadcast_in_dim3A_242 = vector.shape_cast %reduce_max3A_241 : vector<16xf32> to vector<16x1xf32>
      %eq3A_243 = vector.broadcast %broadcast_in_dim3A_242 : vector<16x1xf32> to vector<16x2048xf32>
      %eq3A_244 = arith.cmpf oeq, %select_n3A_239, %eq3A_243 : vector<16x2048xf32>
      %jit3A_245 = arith.constant 2048 : i32
      %broadcast_in_dim3A_246 = vector.broadcast %jit3A_245 : i32 to vector<16x2048xi32>
      %select_n3A_247 = arith.select %eq3A_244, %iota3A, %broadcast_in_dim3A_246 : vector<16x2048xi1>, vector<16x2048xi32>
      %reduce_min3A_248 = arith.constant dense<2147483647> : vector<16xi32>
      %reduce_min3A_249 = vector.multi_reduction <minsi>, %select_n3A_247, %reduce_min3A_248 [1] : vector<16x2048xi32> to vector<16xi32>
      %broadcast_in_dim3A_250 = vector.shape_cast %reduce_min3A_249 : vector<16xi32> to vector<16x1xi32>
      %eq3A_251 = vector.broadcast %broadcast_in_dim3A_250 : vector<16x1xi32> to vector<16x2048xi32>
      %eq3A_252 = arith.cmpi eq, %iota3A, %eq3A_251 : vector<16x2048xi32>
      %convert_element_type3A_253 = arith.extui %eq3A_252 : vector<16x2048xi1> to vector<16x2048xi32>
      %convert_element_type3A_254 = arith.sitofp %convert_element_type3A_253 : vector<16x2048xi32> to vector<16x2048xf32>
      %swap3A_255 = arith.constant 0 : index
      %swap3A_256 = arith.constant 9 : index
      %swap3A_257 = arith.constant 0 : index
      %swap3A_258 = vector.load %arg8[%swap3A_255, %swap3A_256, %swap3A_257] : memref<16x40x2048xf32, #tpu.memory_space<vmem>>, vector<16x1x2048xf32>
      %swap3A_259 = vector.shape_cast %swap3A_258 : vector<16x1x2048xf32> to vector<16x2048xf32>
      %swap3A_260 = vector.shape_cast %convert_element_type3A_254 : vector<16x2048xf32> to vector<16x1x2048xf32>
      tpu.vector_store %arg8[%swap3A_255, %swap3A_256, %swap3A_257], %swap3A_260 {strides = array<i32>} : memref<16x40x2048xf32, #tpu.memory_space<vmem>>, vector<16x1x2048xf32>,
      %eq3A_261 = vector.broadcast %broadcast_in_dim3A_250 : vector<16x1xi32> to vector<16x2048xi32>
      %eq3A_262 = arith.cmpi eq, %iota3A, %eq3A_261 : vector<16x2048xi32>
      %jit3A_263 = arith.constant 0xFF800000 : f32
      %broadcast_in_dim3A_264 = vector.broadcast %jit3A_263 : f32 to vector<16x2048xf32>
      %select_n3A_265 = arith.select %eq3A_262, %broadcast_in_dim3A_264, %select_n3A_239 : vector<16x2048xi1>, vector<16x2048xf32>
      %reduce_max3A_266 = arith.constant dense<0xFF800000> : vector<16xf32>
      %reduce_max3A_267 = vector.multi_reduction <maximumf>, %select_n3A_265, %reduce_max3A_266 [1] : vector<16x2048xf32> to vector<16xf32>
      %broadcast_in_dim3A_268 = vector.shape_cast %reduce_max3A_267 : vector<16xf32> to vector<16x1xf32>
      %eq3A_269 = vector.broadcast %broadcast_in_dim3A_268 : vector<16x1xf32> to vector<16x2048xf32>
      %eq3A_270 = arith.cmpf oeq, %select_n3A_265, %eq3A_269 : vector<16x2048xf32>
      %jit3A_271 = arith.constant 2048 : i32
      %broadcast_in_dim3A_272 = vector.broadcast %jit3A_271 : i32 to vector<16x2048xi32>
      %select_n3A_273 = arith.select %eq3A_270, %iota3A, %broadcast_in_dim3A_272 : vector<16x2048xi1>, vector<16x2048xi32>
      %reduce_min3A_274 = arith.constant dense<2147483647> : vector<16xi32>
      %reduce_min3A_275 = vector.multi_reduction <minsi>, %select_n3A_273, %reduce_min3A_274 [1] : vector<16x2048xi32> to vector<16xi32>
      %broadcast_in_dim3A_276 = vector.shape_cast %reduce_min3A_275 : vector<16xi32> to vector<16x1xi32>
      %eq3A_277 = vector.broadcast %broadcast_in_dim3A_276 : vector<16x1xi32> to vector<16x2048xi32>
      %eq3A_278 = arith.cmpi eq, %iota3A, %eq3A_277 : vector<16x2048xi32>
      %convert_element_type3A_279 = arith.extui %eq3A_278 : vector<16x2048xi1> to vector<16x2048xi32>
      %convert_element_type3A_280 = arith.sitofp %convert_element_type3A_279 : vector<16x2048xi32> to vector<16x2048xf32>
      %swap3A_281 = arith.constant 0 : index
      %swap3A_282 = arith.constant 10 : index
      %swap3A_283 = arith.constant 0 : index
      %swap3A_284 = vector.load %arg8[%swap3A_281, %swap3A_282, %swap3A_283] : memref<16x40x2048xf32, #tpu.memory_space<vmem>>, vector<16x1x2048xf32>
      %swap3A_285 = vector.shape_cast %swap3A_284 : vector<16x1x2048xf32> to vector<16x2048xf32>
      %swap3A_286 = vector.shape_cast %convert_element_type3A_280 : vector<16x2048xf32> to vector<16x1x2048xf32>
      tpu.vector_store %arg8[%swap3A_281, %swap3A_282, %swap3A_283], %swap3A_286 {strides = array<i32>} : memref<16x40x2048xf32, #tpu.memory_space<vmem>>, vector<16x1x2048xf32>,
      %eq3A_287 = vector.broadcast %broadcast_in_dim3A_276 : vector<16x1xi32> to vector<16x2048xi32>
      %eq3A_288 = arith.cmpi eq, %iota3A, %eq3A_287 : vector<16x2048xi32>
      %jit3A_289 = arith.constant 0xFF800000 : f32
      %broadcast_in_dim3A_290 = vector.broadcast %jit3A_289 : f32 to vector<16x2048xf32>
      %select_n3A_291 = arith.select %eq3A_288, %broadcast_in_dim3A_290, %select_n3A_265 : vector<16x2048xi1>, vector<16x2048xf32>
      %reduce_max3A_292 = arith.constant dense<0xFF800000> : vector<16xf32>
      %reduce_max3A_293 = vector.multi_reduction <maximumf>, %select_n3A_291, %reduce_max3A_292 [1] : vector<16x2048xf32> to vector<16xf32>
      %broadcast_in_dim3A_294 = vector.shape_cast %reduce_max3A_293 : vector<16xf32> to vector<16x1xf32>
      %eq3A_295 = vector.broadcast %broadcast_in_dim3A_294 : vector<16x1xf32> to vector<16x2048xf32>
      %eq3A_296 = arith.cmpf oeq, %select_n3A_291, %eq3A_295 : vector<16x2048xf32>
      %jit3A_297 = arith.constant 2048 : i32
      %broadcast_in_dim3A_298 = vector.broadcast %jit3A_297 : i32 to vector<16x2048xi32>
      %select_n3A_299 = arith.select %eq3A_296, %iota3A, %broadcast_in_dim3A_298 : vector<16x2048xi1>, vector<16x2048xi32>
      %reduce_min3A_300 = arith.constant dense<2147483647> : vector<16xi32>
      %reduce_min3A_301 = vector.multi_reduction <minsi>, %select_n3A_299, %reduce_min3A_300 [1] : vector<16x2048xi32> to vector<16xi32>
      %broadcast_in_dim3A_302 = vector.shape_cast %reduce_min3A_301 : vector<16xi32> to vector<16x1xi32>
      %eq3A_303 = vector.broadcast %broadcast_in_dim3A_302 : vector<16x1xi32> to vector<16x2048xi32>
      %eq3A_304 = arith.cmpi eq, %iota3A, %eq3A_303 : vector<16x2048xi32>
      %convert_element_type3A_305 = arith.extui %eq3A_304 : vector<16x2048xi1> to vector<16x2048xi32>
      %convert_element_type3A_306 = arith.sitofp %convert_element_type3A_305 : vector<16x2048xi32> to vector<16x2048xf32>
      %swap3A_307 = arith.constant 0 : index
      %swap3A_308 = arith.constant 11 : index
      %swap3A_309 = arith.constant 0 : index
      %swap3A_310 = vector.load %arg8[%swap3A_307, %swap3A_308, %swap3A_309] : memref<16x40x2048xf32, #tpu.memory_space<vmem>>, vector<16x1x2048xf32>
      %swap3A_311 = vector.shape_cast %swap3A_310 : vector<16x1x2048xf32> to vector<16x2048xf32>
      %swap3A_312 = vector.shape_cast %convert_element_type3A_306 : vector<16x2048xf32> to vector<16x1x2048xf32>
      tpu.vector_store %arg8[%swap3A_307, %swap3A_308, %swap3A_309], %swap3A_312 {strides = array<i32>} : memref<16x40x2048xf32, #tpu.memory_space<vmem>>, vector<16x1x2048xf32>,
      %eq3A_313 = vector.broadcast %broadcast_in_dim3A_302 : vector<16x1xi32> to vector<16x2048xi32>
      %eq3A_314 = arith.cmpi eq, %iota3A, %eq3A_313 : vector<16x2048xi32>
      %jit3A_315 = arith.constant 0xFF800000 : f32
      %broadcast_in_dim3A_316 = vector.broadcast %jit3A_315 : f32 to vector<16x2048xf32>
      %select_n3A_317 = arith.select %eq3A_314, %broadcast_in_dim3A_316, %select_n3A_291 : vector<16x2048xi1>, vector<16x2048xf32>
      %reduce_max3A_318 = arith.constant dense<0xFF800000> : vector<16xf32>
      %reduce_max3A_319 = vector.multi_reduction <maximumf>, %select_n3A_317, %reduce_max3A_318 [1] : vector<16x2048xf32> to vector<16xf32>
      %broadcast_in_dim3A_320 = vector.shape_cast %reduce_max3A_319 : vector<16xf32> to vector<16x1xf32>
      %eq3A_321 = vector.broadcast %broadcast_in_dim3A_320 : vector<16x1xf32> to vector<16x2048xf32>
      %eq3A_322 = arith.cmpf oeq, %select_n3A_317, %eq3A_321 : vector<16x2048xf32>
      %jit3A_323 = arith.constant 2048 : i32
      %broadcast_in_dim3A_324 = vector.broadcast %jit3A_323 : i32 to vector<16x2048xi32>
      %select_n3A_325 = arith.select %eq3A_322, %iota3A, %broadcast_in_dim3A_324 : vector<16x2048xi1>, vector<16x2048xi32>
      %reduce_min3A_326 = arith.constant dense<2147483647> : vector<16xi32>
      %reduce_min3A_327 = vector.multi_reduction <minsi>, %select_n3A_325, %reduce_min3A_326 [1] : vector<16x2048xi32> to vector<16xi32>
      %broadcast_in_dim3A_328 = vector.shape_cast %reduce_min3A_327 : vector<16xi32> to vector<16x1xi32>
      %eq3A_329 = vector.broadcast %broadcast_in_dim3A_328 : vector<16x1xi32> to vector<16x2048xi32>
      %eq3A_330 = arith.cmpi eq, %iota3A, %eq3A_329 : vector<16x2048xi32>
      %convert_element_type3A_331 = arith.extui %eq3A_330 : vector<16x2048xi1> to vector<16x2048xi32>
      %convert_element_type3A_332 = arith.sitofp %convert_element_type3A_331 : vector<16x2048xi32> to vector<16x2048xf32>
      %swap3A_333 = arith.constant 0 : index
      %swap3A_334 = arith.constant 12 : index
      %swap3A_335 = arith.constant 0 : index
      %swap3A_336 = vector.load %arg8[%swap3A_333, %swap3A_334, %swap3A_335] : memref<16x40x2048xf32, #tpu.memory_space<vmem>>, vector<16x1x2048xf32>
      %swap3A_337 = vector.shape_cast %swap3A_336 : vector<16x1x2048xf32> to vector<16x2048xf32>
      %swap3A_338 = vector.shape_cast %convert_element_type3A_332 : vector<16x2048xf32> to vector<16x1x2048xf32>
      tpu.vector_store %arg8[%swap3A_333, %swap3A_334, %swap3A_335], %swap3A_338 {strides = array<i32>} : memref<16x40x2048xf32, #tpu.memory_space<vmem>>, vector<16x1x2048xf32>,
      %eq3A_339 = vector.broadcast %broadcast_in_dim3A_328 : vector<16x1xi32> to vector<16x2048xi32>
      %eq3A_340 = arith.cmpi eq, %iota3A, %eq3A_339 : vector<16x2048xi32>
      %jit3A_341 = arith.constant 0xFF800000 : f32
      %broadcast_in_dim3A_342 = vector.broadcast %jit3A_341 : f32 to vector<16x2048xf32>
      %select_n3A_343 = arith.select %eq3A_340, %broadcast_in_dim3A_342, %select_n3A_317 : vector<16x2048xi1>, vector<16x2048xf32>
      %reduce_max3A_344 = arith.constant dense<0xFF800000> : vector<16xf32>
      %reduce_max3A_345 = vector.multi_reduction <maximumf>, %select_n3A_343, %reduce_max3A_344 [1] : vector<16x2048xf32> to vector<16xf32>
      %broadcast_in_dim3A_346 = vector.shape_cast %reduce_max3A_345 : vector<16xf32> to vector<16x1xf32>
      %eq3A_347 = vector.broadcast %broadcast_in_dim3A_346 : vector<16x1xf32> to vector<16x2048xf32>
      %eq3A_348 = arith.cmpf oeq, %select_n3A_343, %eq3A_347 : vector<16x2048xf32>
      %jit3A_349 = arith.constant 2048 : i32
      %broadcast_in_dim3A_350 = vector.broadcast %jit3A_349 : i32 to vector<16x2048xi32>
      %select_n3A_351 = arith.select %eq3A_348, %iota3A, %broadcast_in_dim3A_350 : vector<16x2048xi1>, vector<16x2048xi32>
      %reduce_min3A_352 = arith.constant dense<2147483647> : vector<16xi32>
      %reduce_min3A_353 = vector.multi_reduction <minsi>, %select_n3A_351, %reduce_min3A_352 [1] : vector<16x2048xi32> to vector<16xi32>
      %broadcast_in_dim3A_354 = vector.shape_cast %reduce_min3A_353 : vector<16xi32> to vector<16x1xi32>
      %eq3A_355 = vector.broadcast %broadcast_in_dim3A_354 : vector<16x1xi32> to vector<16x2048xi32>
      %eq3A_356 = arith.cmpi eq, %iota3A, %eq3A_355 : vector<16x2048xi32>
      %convert_element_type3A_357 = arith.extui %eq3A_356 : vector<16x2048xi1> to vector<16x2048xi32>
      %convert_element_type3A_358 = arith.sitofp %convert_element_type3A_357 : vector<16x2048xi32> to vector<16x2048xf32>
      %swap3A_359 = arith.constant 0 : index
      %swap3A_360 = arith.constant 13 : index
      %swap3A_361 = arith.constant 0 : index
      %swap3A_362 = vector.load %arg8[%swap3A_359, %swap3A_360, %swap3A_361] : memref<16x40x2048xf32, #tpu.memory_space<vmem>>, vector<16x1x2048xf32>
      %swap3A_363 = vector.shape_cast %swap3A_362 : vector<16x1x2048xf32> to vector<16x2048xf32>
      %swap3A_364 = vector.shape_cast %convert_element_type3A_358 : vector<16x2048xf32> to vector<16x1x2048xf32>
      tpu.vector_store %arg8[%swap3A_359, %swap3A_360, %swap3A_361], %swap3A_364 {strides = array<i32>} : memref<16x40x2048xf32, #tpu.memory_space<vmem>>, vector<16x1x2048xf32>,
      %eq3A_365 = vector.broadcast %broadcast_in_dim3A_354 : vector<16x1xi32> to vector<16x2048xi32>
      %eq3A_366 = arith.cmpi eq, %iota3A, %eq3A_365 : vector<16x2048xi32>
      %jit3A_367 = arith.constant 0xFF800000 : f32
      %broadcast_in_dim3A_368 = vector.broadcast %jit3A_367 : f32 to vector<16x2048xf32>
      %select_n3A_369 = arith.select %eq3A_366, %broadcast_in_dim3A_368, %select_n3A_343 : vector<16x2048xi1>, vector<16x2048xf32>
      %reduce_max3A_370 = arith.constant dense<0xFF800000> : vector<16xf32>
      %reduce_max3A_371 = vector.multi_reduction <maximumf>, %select_n3A_369, %reduce_max3A_370 [1] : vector<16x2048xf32> to vector<16xf32>
      %broadcast_in_dim3A_372 = vector.shape_cast %reduce_max3A_371 : vector<16xf32> to vector<16x1xf32>
      %eq3A_373 = vector.broadcast %broadcast_in_dim3A_372 : vector<16x1xf32> to vector<16x2048xf32>
      %eq3A_374 = arith.cmpf oeq, %select_n3A_369, %eq3A_373 : vector<16x2048xf32>
      %jit3A_375 = arith.constant 2048 : i32
      %broadcast_in_dim3A_376 = vector.broadcast %jit3A_375 : i32 to vector<16x2048xi32>
      %select_n3A_377 = arith.select %eq3A_374, %iota3A, %broadcast_in_dim3A_376 : vector<16x2048xi1>, vector<16x2048xi32>
      %reduce_min3A_378 = arith.constant dense<2147483647> : vector<16xi32>
      %reduce_min3A_379 = vector.multi_reduction <minsi>, %select_n3A_377, %reduce_min3A_378 [1] : vector<16x2048xi32> to vector<16xi32>
      %broadcast_in_dim3A_380 = vector.shape_cast %reduce_min3A_379 : vector<16xi32> to vector<16x1xi32>
      %eq3A_381 = vector.broadcast %broadcast_in_dim3A_380 : vector<16x1xi32> to vector<16x2048xi32>
      %eq3A_382 = arith.cmpi eq, %iota3A, %eq3A_381 : vector<16x2048xi32>
      %convert_element_type3A_383 = arith.extui %eq3A_382 : vector<16x2048xi1> to vector<16x2048xi32>
      %convert_element_type3A_384 = arith.sitofp %convert_element_type3A_383 : vector<16x2048xi32> to vector<16x2048xf32>
      %swap3A_385 = arith.constant 0 : index
      %swap3A_386 = arith.constant 14 : index
      %swap3A_387 = arith.constant 0 : index
      %swap3A_388 = vector.load %arg8[%swap3A_385, %swap3A_386, %swap3A_387] : memref<16x40x2048xf32, #tpu.memory_space<vmem>>, vector<16x1x2048xf32>
      %swap3A_389 = vector.shape_cast %swap3A_388 : vector<16x1x2048xf32> to vector<16x2048xf32>
      %swap3A_390 = vector.shape_cast %convert_element_type3A_384 : vector<16x2048xf32> to vector<16x1x2048xf32>
      tpu.vector_store %arg8[%swap3A_385, %swap3A_386, %swap3A_387], %swap3A_390 {strides = array<i32>} : memref<16x40x2048xf32, #tpu.memory_space<vmem>>, vector<16x1x2048xf32>,
      %eq3A_391 = vector.broadcast %broadcast_in_dim3A_380 : vector<16x1xi32> to vector<16x2048xi32>
      %eq3A_392 = arith.cmpi eq, %iota3A, %eq3A_391 : vector<16x2048xi32>
      %jit3A_393 = arith.constant 0xFF800000 : f32
      %broadcast_in_dim3A_394 = vector.broadcast %jit3A_393 : f32 to vector<16x2048xf32>
      %select_n3A_395 = arith.select %eq3A_392, %broadcast_in_dim3A_394, %select_n3A_369 : vector<16x2048xi1>, vector<16x2048xf32>
      %reduce_max3A_396 = arith.constant dense<0xFF800000> : vector<16xf32>
      %reduce_max3A_397 = vector.multi_reduction <maximumf>, %select_n3A_395, %reduce_max3A_396 [1] : vector<16x2048xf32> to vector<16xf32>
      %broadcast_in_dim3A_398 = vector.shape_cast %reduce_max3A_397 : vector<16xf32> to vector<16x1xf32>
      %eq3A_399 = vector.broadcast %broadcast_in_dim3A_398 : vector<16x1xf32> to vector<16x2048xf32>
      %eq3A_400 = arith.cmpf oeq, %select_n3A_395, %eq3A_399 : vector<16x2048xf32>
      %jit3A_401 = arith.constant 2048 : i32
      %broadcast_in_dim3A_402 = vector.broadcast %jit3A_401 : i32 to vector<16x2048xi32>
      %select_n3A_403 = arith.select %eq3A_400, %iota3A, %broadcast_in_dim3A_402 : vector<16x2048xi1>, vector<16x2048xi32>
      %reduce_min3A_404 = arith.constant dense<2147483647> : vector<16xi32>
      %reduce_min3A_405 = vector.multi_reduction <minsi>, %select_n3A_403, %reduce_min3A_404 [1] : vector<16x2048xi32> to vector<16xi32>
      %broadcast_in_dim3A_406 = vector.shape_cast %reduce_min3A_405 : vector<16xi32> to vector<16x1xi32>
      %eq3A_407 = vector.broadcast %broadcast_in_dim3A_406 : vector<16x1xi32> to vector<16x2048xi32>
      %eq3A_408 = arith.cmpi eq, %iota3A, %eq3A_407 : vector<16x2048xi32>
      %convert_element_type3A_409 = arith.extui %eq3A_408 : vector<16x2048xi1> to vector<16x2048xi32>
      %convert_element_type3A_410 = arith.sitofp %convert_element_type3A_409 : vector<16x2048xi32> to vector<16x2048xf32>
      %swap3A_411 = arith.constant 0 : index
      %swap3A_412 = arith.constant 15 : index
      %swap3A_413 = arith.constant 0 : index
      %swap3A_414 = vector.load %arg8[%swap3A_411, %swap3A_412, %swap3A_413] : memref<16x40x2048xf32, #tpu.memory_space<vmem>>, vector<16x1x2048xf32>
      %swap3A_415 = vector.shape_cast %swap3A_414 : vector<16x1x2048xf32> to vector<16x2048xf32>
      %swap3A_416 = vector.shape_cast %convert_element_type3A_410 : vector<16x2048xf32> to vector<16x1x2048xf32>
      tpu.vector_store %arg8[%swap3A_411, %swap3A_412, %swap3A_413], %swap3A_416 {strides = array<i32>} : memref<16x40x2048xf32, #tpu.memory_space<vmem>>, vector<16x1x2048xf32>,
      %eq3A_417 = vector.broadcast %broadcast_in_dim3A_406 : vector<16x1xi32> to vector<16x2048xi32>
      %eq3A_418 = arith.cmpi eq, %iota3A, %eq3A_417 : vector<16x2048xi32>
      %jit3A_419 = arith.constant 0xFF800000 : f32
      %broadcast_in_dim3A_420 = vector.broadcast %jit3A_419 : f32 to vector<16x2048xf32>
      %select_n3A_421 = arith.select %eq3A_418, %broadcast_in_dim3A_420, %select_n3A_395 : vector<16x2048xi1>, vector<16x2048xf32>
      %reduce_max3A_422 = arith.constant dense<0xFF800000> : vector<16xf32>
      %reduce_max3A_423 = vector.multi_reduction <maximumf>, %select_n3A_421, %reduce_max3A_422 [1] : vector<16x2048xf32> to vector<16xf32>
      %broadcast_in_dim3A_424 = vector.shape_cast %reduce_max3A_423 : vector<16xf32> to vector<16x1xf32>
      %eq3A_425 = vector.broadcast %broadcast_in_dim3A_424 : vector<16x1xf32> to vector<16x2048xf32>
      %eq3A_426 = arith.cmpf oeq, %select_n3A_421, %eq3A_425 : vector<16x2048xf32>
      %jit3A_427 = arith.constant 2048 : i32
      %broadcast_in_dim3A_428 = vector.broadcast %jit3A_427 : i32 to vector<16x2048xi32>
      %select_n3A_429 = arith.select %eq3A_426, %iota3A, %broadcast_in_dim3A_428 : vector<16x2048xi1>, vector<16x2048xi32>
      %reduce_min3A_430 = arith.constant dense<2147483647> : vector<16xi32>
      %reduce_min3A_431 = vector.multi_reduction <minsi>, %select_n3A_429, %reduce_min3A_430 [1] : vector<16x2048xi32> to vector<16xi32>
      %broadcast_in_dim3A_432 = vector.shape_cast %reduce_min3A_431 : vector<16xi32> to vector<16x1xi32>
      %eq3A_433 = vector.broadcast %broadcast_in_dim3A_432 : vector<16x1xi32> to vector<16x2048xi32>
      %eq3A_434 = arith.cmpi eq, %iota3A, %eq3A_433 : vector<16x2048xi32>
      %convert_element_type3A_435 = arith.extui %eq3A_434 : vector<16x2048xi1> to vector<16x2048xi32>
      %convert_element_type3A_436 = arith.sitofp %convert_element_type3A_435 : vector<16x2048xi32> to vector<16x2048xf32>
      %swap3A_437 = arith.constant 0 : index
      %swap3A_438 = arith.constant 16 : index
      %swap3A_439 = arith.constant 0 : index
      %swap3A_440 = vector.load %arg8[%swap3A_437, %swap3A_438, %swap3A_439] : memref<16x40x2048xf32, #tpu.memory_space<vmem>>, vector<16x1x2048xf32>
      %swap3A_441 = vector.shape_cast %swap3A_440 : vector<16x1x2048xf32> to vector<16x2048xf32>
      %swap3A_442 = vector.shape_cast %convert_element_type3A_436 : vector<16x2048xf32> to vector<16x1x2048xf32>
      tpu.vector_store %arg8[%swap3A_437, %swap3A_438, %swap3A_439], %swap3A_442 {strides = array<i32>} : memref<16x40x2048xf32, #tpu.memory_space<vmem>>, vector<16x1x2048xf32>,
      %eq3A_443 = vector.broadcast %broadcast_in_dim3A_432 : vector<16x1xi32> to vector<16x2048xi32>
      %eq3A_444 = arith.cmpi eq, %iota3A, %eq3A_443 : vector<16x2048xi32>
      %jit3A_445 = arith.constant 0xFF800000 : f32
      %broadcast_in_dim3A_446 = vector.broadcast %jit3A_445 : f32 to vector<16x2048xf32>
      %select_n3A_447 = arith.select %eq3A_444, %broadcast_in_dim3A_446, %select_n3A_421 : vector<16x2048xi1>, vector<16x2048xf32>
      %reduce_max3A_448 = arith.constant dense<0xFF800000> : vector<16xf32>
      %reduce_max3A_449 = vector.multi_reduction <maximumf>, %select_n3A_447, %reduce_max3A_448 [1] : vector<16x2048xf32> to vector<16xf32>
      %broadcast_in_dim3A_450 = vector.shape_cast %reduce_max3A_449 : vector<16xf32> to vector<16x1xf32>
      %eq3A_451 = vector.broadcast %broadcast_in_dim3A_450 : vector<16x1xf32> to vector<16x2048xf32>
      %eq3A_452 = arith.cmpf oeq, %select_n3A_447, %eq3A_451 : vector<16x2048xf32>
      %jit3A_453 = arith.constant 2048 : i32
      %broadcast_in_dim3A_454 = vector.broadcast %jit3A_453 : i32 to vector<16x2048xi32>
      %select_n3A_455 = arith.select %eq3A_452, %iota3A, %broadcast_in_dim3A_454 : vector<16x2048xi1>, vector<16x2048xi32>
      %reduce_min3A_456 = arith.constant dense<2147483647> : vector<16xi32>
      %reduce_min3A_457 = vector.multi_reduction <minsi>, %select_n3A_455, %reduce_min3A_456 [1] : vector<16x2048xi32> to vector<16xi32>
      %broadcast_in_dim3A_458 = vector.shape_cast %reduce_min3A_457 : vector<16xi32> to vector<16x1xi32>
      %eq3A_459 = vector.broadcast %broadcast_in_dim3A_458 : vector<16x1xi32> to vector<16x2048xi32>
      %eq3A_460 = arith.cmpi eq, %iota3A, %eq3A_459 : vector<16x2048xi32>
      %convert_element_type3A_461 = arith.extui %eq3A_460 : vector<16x2048xi1> to vector<16x2048xi32>
      %convert_element_type3A_462 = arith.sitofp %convert_element_type3A_461 : vector<16x2048xi32> to vector<16x2048xf32>
      %swap3A_463 = arith.constant 0 : index
      %swap3A_464 = arith.constant 17 : index
      %swap3A_465 = arith.constant 0 : index
      %swap3A_466 = vector.load %arg8[%swap3A_463, %swap3A_464, %swap3A_465] : memref<16x40x2048xf32, #tpu.memory_space<vmem>>, vector<16x1x2048xf32>
      %swap3A_467 = vector.shape_cast %swap3A_466 : vector<16x1x2048xf32> to vector<16x2048xf32>
      %swap3A_468 = vector.shape_cast %convert_element_type3A_462 : vector<16x2048xf32> to vector<16x1x2048xf32>
      tpu.vector_store %arg8[%swap3A_463, %swap3A_464, %swap3A_465], %swap3A_468 {strides = array<i32>} : memref<16x40x2048xf32, #tpu.memory_space<vmem>>, vector<16x1x2048xf32>,
      %eq3A_469 = vector.broadcast %broadcast_in_dim3A_458 : vector<16x1xi32> to vector<16x2048xi32>
      %eq3A_470 = arith.cmpi eq, %iota3A, %eq3A_469 : vector<16x2048xi32>
      %jit3A_471 = arith.constant 0xFF800000 : f32
      %broadcast_in_dim3A_472 = vector.broadcast %jit3A_471 : f32 to vector<16x2048xf32>
      %select_n3A_473 = arith.select %eq3A_470, %broadcast_in_dim3A_472, %select_n3A_447 : vector<16x2048xi1>, vector<16x2048xf32>
      %reduce_max3A_474 = arith.constant dense<0xFF800000> : vector<16xf32>
      %reduce_max3A_475 = vector.multi_reduction <maximumf>, %select_n3A_473, %reduce_max3A_474 [1] : vector<16x2048xf32> to vector<16xf32>
      %broadcast_in_dim3A_476 = vector.shape_cast %reduce_max3A_475 : vector<16xf32> to vector<16x1xf32>
      %eq3A_477 = vector.broadcast %broadcast_in_dim3A_476 : vector<16x1xf32> to vector<16x2048xf32>
      %eq3A_478 = arith.cmpf oeq, %select_n3A_473, %eq3A_477 : vector<16x2048xf32>
      %jit3A_479 = arith.constant 2048 : i32
      %broadcast_in_dim3A_480 = vector.broadcast %jit3A_479 : i32 to vector<16x2048xi32>
      %select_n3A_481 = arith.select %eq3A_478, %iota3A, %broadcast_in_dim3A_480 : vector<16x2048xi1>, vector<16x2048xi32>
      %reduce_min3A_482 = arith.constant dense<2147483647> : vector<16xi32>
      %reduce_min3A_483 = vector.multi_reduction <minsi>, %select_n3A_481, %reduce_min3A_482 [1] : vector<16x2048xi32> to vector<16xi32>
      %broadcast_in_dim3A_484 = vector.shape_cast %reduce_min3A_483 : vector<16xi32> to vector<16x1xi32>
      %eq3A_485 = vector.broadcast %broadcast_in_dim3A_484 : vector<16x1xi32> to vector<16x2048xi32>
      %eq3A_486 = arith.cmpi eq, %iota3A, %eq3A_485 : vector<16x2048xi32>
      %convert_element_type3A_487 = arith.extui %eq3A_486 : vector<16x2048xi1> to vector<16x2048xi32>
      %convert_element_type3A_488 = arith.sitofp %convert_element_type3A_487 : vector<16x2048xi32> to vector<16x2048xf32>
      %swap3A_489 = arith.constant 0 : index
      %swap3A_490 = arith.constant 18 : index
      %swap3A_491 = arith.constant 0 : index
      %swap3A_492 = vector.load %arg8[%swap3A_489, %swap3A_490, %swap3A_491] : memref<16x40x2048xf32, #tpu.memory_space<vmem>>, vector<16x1x2048xf32>
      %swap3A_493 = vector.shape_cast %swap3A_492 : vector<16x1x2048xf32> to vector<16x2048xf32>
      %swap3A_494 = vector.shape_cast %convert_element_type3A_488 : vector<16x2048xf32> to vector<16x1x2048xf32>
      tpu.vector_store %arg8[%swap3A_489, %swap3A_490, %swap3A_491], %swap3A_494 {strides = array<i32>} : memref<16x40x2048xf32, #tpu.memory_space<vmem>>, vector<16x1x2048xf32>,
      %eq3A_495 = vector.broadcast %broadcast_in_dim3A_484 : vector<16x1xi32> to vector<16x2048xi32>
      %eq3A_496 = arith.cmpi eq, %iota3A, %eq3A_495 : vector<16x2048xi32>
      %jit3A_497 = arith.constant 0xFF800000 : f32
      %broadcast_in_dim3A_498 = vector.broadcast %jit3A_497 : f32 to vector<16x2048xf32>
      %select_n3A_499 = arith.select %eq3A_496, %broadcast_in_dim3A_498, %select_n3A_473 : vector<16x2048xi1>, vector<16x2048xf32>
      %reduce_max3A_500 = arith.constant dense<0xFF800000> : vector<16xf32>
      %reduce_max3A_501 = vector.multi_reduction <maximumf>, %select_n3A_499, %reduce_max3A_500 [1] : vector<16x2048xf32> to vector<16xf32>
      %broadcast_in_dim3A_502 = vector.shape_cast %reduce_max3A_501 : vector<16xf32> to vector<16x1xf32>
      %eq3A_503 = vector.broadcast %broadcast_in_dim3A_502 : vector<16x1xf32> to vector<16x2048xf32>
      %eq3A_504 = arith.cmpf oeq, %select_n3A_499, %eq3A_503 : vector<16x2048xf32>
      %jit3A_505 = arith.constant 2048 : i32
      %broadcast_in_dim3A_506 = vector.broadcast %jit3A_505 : i32 to vector<16x2048xi32>
      %select_n3A_507 = arith.select %eq3A_504, %iota3A, %broadcast_in_dim3A_506 : vector<16x2048xi1>, vector<16x2048xi32>
      %reduce_min3A_508 = arith.constant dense<2147483647> : vector<16xi32>
      %reduce_min3A_509 = vector.multi_reduction <minsi>, %select_n3A_507, %reduce_min3A_508 [1] : vector<16x2048xi32> to vector<16xi32>
      %broadcast_in_dim3A_510 = vector.shape_cast %reduce_min3A_509 : vector<16xi32> to vector<16x1xi32>
      %eq3A_511 = vector.broadcast %broadcast_in_dim3A_510 : vector<16x1xi32> to vector<16x2048xi32>
      %eq3A_512 = arith.cmpi eq, %iota3A, %eq3A_511 : vector<16x2048xi32>
      %convert_element_type3A_513 = arith.extui %eq3A_512 : vector<16x2048xi1> to vector<16x2048xi32>
      %convert_element_type3A_514 = arith.sitofp %convert_element_type3A_513 : vector<16x2048xi32> to vector<16x2048xf32>
      %swap3A_515 = arith.constant 0 : index
      %swap3A_516 = arith.constant 19 : index
      %swap3A_517 = arith.constant 0 : index
      %swap3A_518 = vector.load %arg8[%swap3A_515, %swap3A_516, %swap3A_517] : memref<16x40x2048xf32, #tpu.memory_space<vmem>>, vector<16x1x2048xf32>
      %swap3A_519 = vector.shape_cast %swap3A_518 : vector<16x1x2048xf32> to vector<16x2048xf32>
      %swap3A_520 = vector.shape_cast %convert_element_type3A_514 : vector<16x2048xf32> to vector<16x1x2048xf32>
      tpu.vector_store %arg8[%swap3A_515, %swap3A_516, %swap3A_517], %swap3A_520 {strides = array<i32>} : memref<16x40x2048xf32, #tpu.memory_space<vmem>>, vector<16x1x2048xf32>,
      %eq3A_521 = vector.broadcast %broadcast_in_dim3A_510 : vector<16x1xi32> to vector<16x2048xi32>
      %eq3A_522 = arith.cmpi eq, %iota3A, %eq3A_521 : vector<16x2048xi32>
      %jit3A_523 = arith.constant 0xFF800000 : f32
      %broadcast_in_dim3A_524 = vector.broadcast %jit3A_523 : f32 to vector<16x2048xf32>
      %select_n3A_525 = arith.select %eq3A_522, %broadcast_in_dim3A_524, %select_n3A_499 : vector<16x2048xi1>, vector<16x2048xf32>
      %reduce_max3A_526 = arith.constant dense<0xFF800000> : vector<16xf32>
      %reduce_max3A_527 = vector.multi_reduction <maximumf>, %select_n3A_525, %reduce_max3A_526 [1] : vector<16x2048xf32> to vector<16xf32>
      %broadcast_in_dim3A_528 = vector.shape_cast %reduce_max3A_527 : vector<16xf32> to vector<16x1xf32>
      %eq3A_529 = vector.broadcast %broadcast_in_dim3A_528 : vector<16x1xf32> to vector<16x2048xf32>
      %eq3A_530 = arith.cmpf oeq, %select_n3A_525, %eq3A_529 : vector<16x2048xf32>
      %jit3A_531 = arith.constant 2048 : i32
      %broadcast_in_dim3A_532 = vector.broadcast %jit3A_531 : i32 to vector<16x2048xi32>
      %select_n3A_533 = arith.select %eq3A_530, %iota3A, %broadcast_in_dim3A_532 : vector<16x2048xi1>, vector<16x2048xi32>
      %reduce_min3A_534 = arith.constant dense<2147483647> : vector<16xi32>
      %reduce_min3A_535 = vector.multi_reduction <minsi>, %select_n3A_533, %reduce_min3A_534 [1] : vector<16x2048xi32> to vector<16xi32>
      %broadcast_in_dim3A_536 = vector.shape_cast %reduce_min3A_535 : vector<16xi32> to vector<16x1xi32>
      %eq3A_537 = vector.broadcast %broadcast_in_dim3A_536 : vector<16x1xi32> to vector<16x2048xi32>
      %eq3A_538 = arith.cmpi eq, %iota3A, %eq3A_537 : vector<16x2048xi32>
      %convert_element_type3A_539 = arith.extui %eq3A_538 : vector<16x2048xi1> to vector<16x2048xi32>
      %convert_element_type3A_540 = arith.sitofp %convert_element_type3A_539 : vector<16x2048xi32> to vector<16x2048xf32>
      %swap3A_541 = arith.constant 0 : index
      %swap3A_542 = arith.constant 20 : index
      %swap3A_543 = arith.constant 0 : index
      %swap3A_544 = vector.load %arg8[%swap3A_541, %swap3A_542, %swap3A_543] : memref<16x40x2048xf32, #tpu.memory_space<vmem>>, vector<16x1x2048xf32>
      %swap3A_545 = vector.shape_cast %swap3A_544 : vector<16x1x2048xf32> to vector<16x2048xf32>
      %swap3A_546 = vector.shape_cast %convert_element_type3A_540 : vector<16x2048xf32> to vector<16x1x2048xf32>
      tpu.vector_store %arg8[%swap3A_541, %swap3A_542, %swap3A_543], %swap3A_546 {strides = array<i32>} : memref<16x40x2048xf32, #tpu.memory_space<vmem>>, vector<16x1x2048xf32>,
      %eq3A_547 = vector.broadcast %broadcast_in_dim3A_536 : vector<16x1xi32> to vector<16x2048xi32>
      %eq3A_548 = arith.cmpi eq, %iota3A, %eq3A_547 : vector<16x2048xi32>
      %jit3A_549 = arith.constant 0xFF800000 : f32
      %broadcast_in_dim3A_550 = vector.broadcast %jit3A_549 : f32 to vector<16x2048xf32>
      %select_n3A_551 = arith.select %eq3A_548, %broadcast_in_dim3A_550, %select_n3A_525 : vector<16x2048xi1>, vector<16x2048xf32>
      %reduce_max3A_552 = arith.constant dense<0xFF800000> : vector<16xf32>
      %reduce_max3A_553 = vector.multi_reduction <maximumf>, %select_n3A_551, %reduce_max3A_552 [1] : vector<16x2048xf32> to vector<16xf32>
      %broadcast_in_dim3A_554 = vector.shape_cast %reduce_max3A_553 : vector<16xf32> to vector<16x1xf32>
      %eq3A_555 = vector.broadcast %broadcast_in_dim3A_554 : vector<16x1xf32> to vector<16x2048xf32>
      %eq3A_556 = arith.cmpf oeq, %select_n3A_551, %eq3A_555 : vector<16x2048xf32>
      %jit3A_557 = arith.constant 2048 : i32
      %broadcast_in_dim3A_558 = vector.broadcast %jit3A_557 : i32 to vector<16x2048xi32>
      %select_n3A_559 = arith.select %eq3A_556, %iota3A, %broadcast_in_dim3A_558 : vector<16x2048xi1>, vector<16x2048xi32>
      %reduce_min3A_560 = arith.constant dense<2147483647> : vector<16xi32>
      %reduce_min3A_561 = vector.multi_reduction <minsi>, %select_n3A_559, %reduce_min3A_560 [1] : vector<16x2048xi32> to vector<16xi32>
      %broadcast_in_dim3A_562 = vector.shape_cast %reduce_min3A_561 : vector<16xi32> to vector<16x1xi32>
      %eq3A_563 = vector.broadcast %broadcast_in_dim3A_562 : vector<16x1xi32> to vector<16x2048xi32>
      %eq3A_564 = arith.cmpi eq, %iota3A, %eq3A_563 : vector<16x2048xi32>
      %convert_element_type3A_565 = arith.extui %eq3A_564 : vector<16x2048xi1> to vector<16x2048xi32>
      %convert_element_type3A_566 = arith.sitofp %convert_element_type3A_565 : vector<16x2048xi32> to vector<16x2048xf32>
      %swap3A_567 = arith.constant 0 : index
      %swap3A_568 = arith.constant 21 : index
      %swap3A_569 = arith.constant 0 : index
      %swap3A_570 = vector.load %arg8[%swap3A_567, %swap3A_568, %swap3A_569] : memref<16x40x2048xf32, #tpu.memory_space<vmem>>, vector<16x1x2048xf32>
      %swap3A_571 = vector.shape_cast %swap3A_570 : vector<16x1x2048xf32> to vector<16x2048xf32>
      %swap3A_572 = vector.shape_cast %convert_element_type3A_566 : vector<16x2048xf32> to vector<16x1x2048xf32>
      tpu.vector_store %arg8[%swap3A_567, %swap3A_568, %swap3A_569], %swap3A_572 {strides = array<i32>} : memref<16x40x2048xf32, #tpu.memory_space<vmem>>, vector<16x1x2048xf32>,
      %eq3A_573 = vector.broadcast %broadcast_in_dim3A_562 : vector<16x1xi32> to vector<16x2048xi32>
      %eq3A_574 = arith.cmpi eq, %iota3A, %eq3A_573 : vector<16x2048xi32>
      %jit3A_575 = arith.constant 0xFF800000 : f32
      %broadcast_in_dim3A_576 = vector.broadcast %jit3A_575 : f32 to vector<16x2048xf32>
      %select_n3A_577 = arith.select %eq3A_574, %broadcast_in_dim3A_576, %select_n3A_551 : vector<16x2048xi1>, vector<16x2048xf32>
      %reduce_max3A_578 = arith.constant dense<0xFF800000> : vector<16xf32>
      %reduce_max3A_579 = vector.multi_reduction <maximumf>, %select_n3A_577, %reduce_max3A_578 [1] : vector<16x2048xf32> to vector<16xf32>
      %broadcast_in_dim3A_580 = vector.shape_cast %reduce_max3A_579 : vector<16xf32> to vector<16x1xf32>
      %eq3A_581 = vector.broadcast %broadcast_in_dim3A_580 : vector<16x1xf32> to vector<16x2048xf32>
      %eq3A_582 = arith.cmpf oeq, %select_n3A_577, %eq3A_581 : vector<16x2048xf32>
      %jit3A_583 = arith.constant 2048 : i32
      %broadcast_in_dim3A_584 = vector.broadcast %jit3A_583 : i32 to vector<16x2048xi32>
      %select_n3A_585 = arith.select %eq3A_582, %iota3A, %broadcast_in_dim3A_584 : vector<16x2048xi1>, vector<16x2048xi32>
      %reduce_min3A_586 = arith.constant dense<2147483647> : vector<16xi32>
      %reduce_min3A_587 = vector.multi_reduction <minsi>, %select_n3A_585, %reduce_min3A_586 [1] : vector<16x2048xi32> to vector<16xi32>
      %broadcast_in_dim3A_588 = vector.shape_cast %reduce_min3A_587 : vector<16xi32> to vector<16x1xi32>
      %eq3A_589 = vector.broadcast %broadcast_in_dim3A_588 : vector<16x1xi32> to vector<16x2048xi32>
      %eq3A_590 = arith.cmpi eq, %iota3A, %eq3A_589 : vector<16x2048xi32>
      %convert_element_type3A_591 = arith.extui %eq3A_590 : vector<16x2048xi1> to vector<16x2048xi32>
      %convert_element_type3A_592 = arith.sitofp %convert_element_type3A_591 : vector<16x2048xi32> to vector<16x2048xf32>
      %swap3A_593 = arith.constant 0 : index
      %swap3A_594 = arith.constant 22 : index
      %swap3A_595 = arith.constant 0 : index
      %swap3A_596 = vector.load %arg8[%swap3A_593, %swap3A_594, %swap3A_595] : memref<16x40x2048xf32, #tpu.memory_space<vmem>>, vector<16x1x2048xf32>
      %swap3A_597 = vector.shape_cast %swap3A_596 : vector<16x1x2048xf32> to vector<16x2048xf32>
      %swap3A_598 = vector.shape_cast %convert_element_type3A_592 : vector<16x2048xf32> to vector<16x1x2048xf32>
      tpu.vector_store %arg8[%swap3A_593, %swap3A_594, %swap3A_595], %swap3A_598 {strides = array<i32>} : memref<16x40x2048xf32, #tpu.memory_space<vmem>>, vector<16x1x2048xf32>,
      %eq3A_599 = vector.broadcast %broadcast_in_dim3A_588 : vector<16x1xi32> to vector<16x2048xi32>
      %eq3A_600 = arith.cmpi eq, %iota3A, %eq3A_599 : vector<16x2048xi32>
      %jit3A_601 = arith.constant 0xFF800000 : f32
      %broadcast_in_dim3A_602 = vector.broadcast %jit3A_601 : f32 to vector<16x2048xf32>
      %select_n3A_603 = arith.select %eq3A_600, %broadcast_in_dim3A_602, %select_n3A_577 : vector<16x2048xi1>, vector<16x2048xf32>
      %reduce_max3A_604 = arith.constant dense<0xFF800000> : vector<16xf32>
      %reduce_max3A_605 = vector.multi_reduction <maximumf>, %select_n3A_603, %reduce_max3A_604 [1] : vector<16x2048xf32> to vector<16xf32>
      %broadcast_in_dim3A_606 = vector.shape_cast %reduce_max3A_605 : vector<16xf32> to vector<16x1xf32>
      %eq3A_607 = vector.broadcast %broadcast_in_dim3A_606 : vector<16x1xf32> to vector<16x2048xf32>
      %eq3A_608 = arith.cmpf oeq, %select_n3A_603, %eq3A_607 : vector<16x2048xf32>
      %jit3A_609 = arith.constant 2048 : i32
      %broadcast_in_dim3A_610 = vector.broadcast %jit3A_609 : i32 to vector<16x2048xi32>
      %select_n3A_611 = arith.select %eq3A_608, %iota3A, %broadcast_in_dim3A_610 : vector<16x2048xi1>, vector<16x2048xi32>
      %reduce_min3A_612 = arith.constant dense<2147483647> : vector<16xi32>
      %reduce_min3A_613 = vector.multi_reduction <minsi>, %select_n3A_611, %reduce_min3A_612 [1] : vector<16x2048xi32> to vector<16xi32>
      %broadcast_in_dim3A_614 = vector.shape_cast %reduce_min3A_613 : vector<16xi32> to vector<16x1xi32>
      %eq3A_615 = vector.broadcast %broadcast_in_dim3A_614 : vector<16x1xi32> to vector<16x2048xi32>
      %eq3A_616 = arith.cmpi eq, %iota3A, %eq3A_615 : vector<16x2048xi32>
      %convert_element_type3A_617 = arith.extui %eq3A_616 : vector<16x2048xi1> to vector<16x2048xi32>
      %convert_element_type3A_618 = arith.sitofp %convert_element_type3A_617 : vector<16x2048xi32> to vector<16x2048xf32>
      %swap3A_619 = arith.constant 0 : index
      %swap3A_620 = arith.constant 23 : index
      %swap3A_621 = arith.constant 0 : index
      %swap3A_622 = vector.load %arg8[%swap3A_619, %swap3A_620, %swap3A_621] : memref<16x40x2048xf32, #tpu.memory_space<vmem>>, vector<16x1x2048xf32>
      %swap3A_623 = vector.shape_cast %swap3A_622 : vector<16x1x2048xf32> to vector<16x2048xf32>
      %swap3A_624 = vector.shape_cast %convert_element_type3A_618 : vector<16x2048xf32> to vector<16x1x2048xf32>
      tpu.vector_store %arg8[%swap3A_619, %swap3A_620, %swap3A_621], %swap3A_624 {strides = array<i32>} : memref<16x40x2048xf32, #tpu.memory_space<vmem>>, vector<16x1x2048xf32>,
      %eq3A_625 = vector.broadcast %broadcast_in_dim3A_614 : vector<16x1xi32> to vector<16x2048xi32>
      %eq3A_626 = arith.cmpi eq, %iota3A, %eq3A_625 : vector<16x2048xi32>
      %jit3A_627 = arith.constant 0xFF800000 : f32
      %broadcast_in_dim3A_628 = vector.broadcast %jit3A_627 : f32 to vector<16x2048xf32>
      %select_n3A_629 = arith.select %eq3A_626, %broadcast_in_dim3A_628, %select_n3A_603 : vector<16x2048xi1>, vector<16x2048xf32>
      %reduce_max3A_630 = arith.constant dense<0xFF800000> : vector<16xf32>
      %reduce_max3A_631 = vector.multi_reduction <maximumf>, %select_n3A_629, %reduce_max3A_630 [1] : vector<16x2048xf32> to vector<16xf32>
      %broadcast_in_dim3A_632 = vector.shape_cast %reduce_max3A_631 : vector<16xf32> to vector<16x1xf32>
      %eq3A_633 = vector.broadcast %broadcast_in_dim3A_632 : vector<16x1xf32> to vector<16x2048xf32>
      %eq3A_634 = arith.cmpf oeq, %select_n3A_629, %eq3A_633 : vector<16x2048xf32>
      %jit3A_635 = arith.constant 2048 : i32
      %broadcast_in_dim3A_636 = vector.broadcast %jit3A_635 : i32 to vector<16x2048xi32>
      %select_n3A_637 = arith.select %eq3A_634, %iota3A, %broadcast_in_dim3A_636 : vector<16x2048xi1>, vector<16x2048xi32>
      %reduce_min3A_638 = arith.constant dense<2147483647> : vector<16xi32>
      %reduce_min3A_639 = vector.multi_reduction <minsi>, %select_n3A_637, %reduce_min3A_638 [1] : vector<16x2048xi32> to vector<16xi32>
      %broadcast_in_dim3A_640 = vector.shape_cast %reduce_min3A_639 : vector<16xi32> to vector<16x1xi32>
      %eq3A_641 = vector.broadcast %broadcast_in_dim3A_640 : vector<16x1xi32> to vector<16x2048xi32>
      %eq3A_642 = arith.cmpi eq, %iota3A, %eq3A_641 : vector<16x2048xi32>
      %convert_element_type3A_643 = arith.extui %eq3A_642 : vector<16x2048xi1> to vector<16x2048xi32>
      %convert_element_type3A_644 = arith.sitofp %convert_element_type3A_643 : vector<16x2048xi32> to vector<16x2048xf32>
      %swap3A_645 = arith.constant 0 : index
      %swap3A_646 = arith.constant 24 : index
      %swap3A_647 = arith.constant 0 : index
      %swap3A_648 = vector.load %arg8[%swap3A_645, %swap3A_646, %swap3A_647] : memref<16x40x2048xf32, #tpu.memory_space<vmem>>, vector<16x1x2048xf32>
      %swap3A_649 = vector.shape_cast %swap3A_648 : vector<16x1x2048xf32> to vector<16x2048xf32>
      %swap3A_650 = vector.shape_cast %convert_element_type3A_644 : vector<16x2048xf32> to vector<16x1x2048xf32>
      tpu.vector_store %arg8[%swap3A_645, %swap3A_646, %swap3A_647], %swap3A_650 {strides = array<i32>} : memref<16x40x2048xf32, #tpu.memory_space<vmem>>, vector<16x1x2048xf32>,
      %eq3A_651 = vector.broadcast %broadcast_in_dim3A_640 : vector<16x1xi32> to vector<16x2048xi32>
      %eq3A_652 = arith.cmpi eq, %iota3A, %eq3A_651 : vector<16x2048xi32>
      %jit3A_653 = arith.constant 0xFF800000 : f32
      %broadcast_in_dim3A_654 = vector.broadcast %jit3A_653 : f32 to vector<16x2048xf32>
      %select_n3A_655 = arith.select %eq3A_652, %broadcast_in_dim3A_654, %select_n3A_629 : vector<16x2048xi1>, vector<16x2048xf32>
      %reduce_max3A_656 = arith.constant dense<0xFF800000> : vector<16xf32>
      %reduce_max3A_657 = vector.multi_reduction <maximumf>, %select_n3A_655, %reduce_max3A_656 [1] : vector<16x2048xf32> to vector<16xf32>
      %broadcast_in_dim3A_658 = vector.shape_cast %reduce_max3A_657 : vector<16xf32> to vector<16x1xf32>
      %eq3A_659 = vector.broadcast %broadcast_in_dim3A_658 : vector<16x1xf32> to vector<16x2048xf32>
      %eq3A_660 = arith.cmpf oeq, %select_n3A_655, %eq3A_659 : vector<16x2048xf32>
      %jit3A_661 = arith.constant 2048 : i32
      %broadcast_in_dim3A_662 = vector.broadcast %jit3A_661 : i32 to vector<16x2048xi32>
      %select_n3A_663 = arith.select %eq3A_660, %iota3A, %broadcast_in_dim3A_662 : vector<16x2048xi1>, vector<16x2048xi32>
      %reduce_min3A_664 = arith.constant dense<2147483647> : vector<16xi32>
      %reduce_min3A_665 = vector.multi_reduction <minsi>, %select_n3A_663, %reduce_min3A_664 [1] : vector<16x2048xi32> to vector<16xi32>
      %broadcast_in_dim3A_666 = vector.shape_cast %reduce_min3A_665 : vector<16xi32> to vector<16x1xi32>
      %eq3A_667 = vector.broadcast %broadcast_in_dim3A_666 : vector<16x1xi32> to vector<16x2048xi32>
      %eq3A_668 = arith.cmpi eq, %iota3A, %eq3A_667 : vector<16x2048xi32>
      %convert_element_type3A_669 = arith.extui %eq3A_668 : vector<16x2048xi1> to vector<16x2048xi32>
      %convert_element_type3A_670 = arith.sitofp %convert_element_type3A_669 : vector<16x2048xi32> to vector<16x2048xf32>
      %swap3A_671 = arith.constant 0 : index
      %swap3A_672 = arith.constant 25 : index
      %swap3A_673 = arith.constant 0 : index
      %swap3A_674 = vector.load %arg8[%swap3A_671, %swap3A_672, %swap3A_673] : memref<16x40x2048xf32, #tpu.memory_space<vmem>>, vector<16x1x2048xf32>
      %swap3A_675 = vector.shape_cast %swap3A_674 : vector<16x1x2048xf32> to vector<16x2048xf32>
      %swap3A_676 = vector.shape_cast %convert_element_type3A_670 : vector<16x2048xf32> to vector<16x1x2048xf32>
      tpu.vector_store %arg8[%swap3A_671, %swap3A_672, %swap3A_673], %swap3A_676 {strides = array<i32>} : memref<16x40x2048xf32, #tpu.memory_space<vmem>>, vector<16x1x2048xf32>,
      %eq3A_677 = vector.broadcast %broadcast_in_dim3A_666 : vector<16x1xi32> to vector<16x2048xi32>
      %eq3A_678 = arith.cmpi eq, %iota3A, %eq3A_677 : vector<16x2048xi32>
      %jit3A_679 = arith.constant 0xFF800000 : f32
      %broadcast_in_dim3A_680 = vector.broadcast %jit3A_679 : f32 to vector<16x2048xf32>
      %select_n3A_681 = arith.select %eq3A_678, %broadcast_in_dim3A_680, %select_n3A_655 : vector<16x2048xi1>, vector<16x2048xf32>
      %reduce_max3A_682 = arith.constant dense<0xFF800000> : vector<16xf32>
      %reduce_max3A_683 = vector.multi_reduction <maximumf>, %select_n3A_681, %reduce_max3A_682 [1] : vector<16x2048xf32> to vector<16xf32>
      %broadcast_in_dim3A_684 = vector.shape_cast %reduce_max3A_683 : vector<16xf32> to vector<16x1xf32>
      %eq3A_685 = vector.broadcast %broadcast_in_dim3A_684 : vector<16x1xf32> to vector<16x2048xf32>
      %eq3A_686 = arith.cmpf oeq, %select_n3A_681, %eq3A_685 : vector<16x2048xf32>
      %jit3A_687 = arith.constant 2048 : i32
      %broadcast_in_dim3A_688 = vector.broadcast %jit3A_687 : i32 to vector<16x2048xi32>
      %select_n3A_689 = arith.select %eq3A_686, %iota3A, %broadcast_in_dim3A_688 : vector<16x2048xi1>, vector<16x2048xi32>
      %reduce_min3A_690 = arith.constant dense<2147483647> : vector<16xi32>
      %reduce_min3A_691 = vector.multi_reduction <minsi>, %select_n3A_689, %reduce_min3A_690 [1] : vector<16x2048xi32> to vector<16xi32>
      %broadcast_in_dim3A_692 = vector.shape_cast %reduce_min3A_691 : vector<16xi32> to vector<16x1xi32>
      %eq3A_693 = vector.broadcast %broadcast_in_dim3A_692 : vector<16x1xi32> to vector<16x2048xi32>
      %eq3A_694 = arith.cmpi eq, %iota3A, %eq3A_693 : vector<16x2048xi32>
      %convert_element_type3A_695 = arith.extui %eq3A_694 : vector<16x2048xi1> to vector<16x2048xi32>
      %convert_element_type3A_696 = arith.sitofp %convert_element_type3A_695 : vector<16x2048xi32> to vector<16x2048xf32>
      %swap3A_697 = arith.constant 0 : index
      %swap3A_698 = arith.constant 26 : index
      %swap3A_699 = arith.constant 0 : index
      %swap3A_700 = vector.load %arg8[%swap3A_697, %swap3A_698, %swap3A_699] : memref<16x40x2048xf32, #tpu.memory_space<vmem>>, vector<16x1x2048xf32>
      %swap3A_701 = vector.shape_cast %swap3A_700 : vector<16x1x2048xf32> to vector<16x2048xf32>
      %swap3A_702 = vector.shape_cast %convert_element_type3A_696 : vector<16x2048xf32> to vector<16x1x2048xf32>
      tpu.vector_store %arg8[%swap3A_697, %swap3A_698, %swap3A_699], %swap3A_702 {strides = array<i32>} : memref<16x40x2048xf32, #tpu.memory_space<vmem>>, vector<16x1x2048xf32>,
      %eq3A_703 = vector.broadcast %broadcast_in_dim3A_692 : vector<16x1xi32> to vector<16x2048xi32>
      %eq3A_704 = arith.cmpi eq, %iota3A, %eq3A_703 : vector<16x2048xi32>
      %jit3A_705 = arith.constant 0xFF800000 : f32
      %broadcast_in_dim3A_706 = vector.broadcast %jit3A_705 : f32 to vector<16x2048xf32>
      %select_n3A_707 = arith.select %eq3A_704, %broadcast_in_dim3A_706, %select_n3A_681 : vector<16x2048xi1>, vector<16x2048xf32>
      %reduce_max3A_708 = arith.constant dense<0xFF800000> : vector<16xf32>
      %reduce_max3A_709 = vector.multi_reduction <maximumf>, %select_n3A_707, %reduce_max3A_708 [1] : vector<16x2048xf32> to vector<16xf32>
      %broadcast_in_dim3A_710 = vector.shape_cast %reduce_max3A_709 : vector<16xf32> to vector<16x1xf32>
      %eq3A_711 = vector.broadcast %broadcast_in_dim3A_710 : vector<16x1xf32> to vector<16x2048xf32>
      %eq3A_712 = arith.cmpf oeq, %select_n3A_707, %eq3A_711 : vector<16x2048xf32>
      %jit3A_713 = arith.constant 2048 : i32
      %broadcast_in_dim3A_714 = vector.broadcast %jit3A_713 : i32 to vector<16x2048xi32>
      %select_n3A_715 = arith.select %eq3A_712, %iota3A, %broadcast_in_dim3A_714 : vector<16x2048xi1>, vector<16x2048xi32>
      %reduce_min3A_716 = arith.constant dense<2147483647> : vector<16xi32>
      %reduce_min3A_717 = vector.multi_reduction <minsi>, %select_n3A_715, %reduce_min3A_716 [1] : vector<16x2048xi32> to vector<16xi32>
      %broadcast_in_dim3A_718 = vector.shape_cast %reduce_min3A_717 : vector<16xi32> to vector<16x1xi32>
      %eq3A_719 = vector.broadcast %broadcast_in_dim3A_718 : vector<16x1xi32> to vector<16x2048xi32>
      %eq3A_720 = arith.cmpi eq, %iota3A, %eq3A_719 : vector<16x2048xi32>
      %convert_element_type3A_721 = arith.extui %eq3A_720 : vector<16x2048xi1> to vector<16x2048xi32>
      %convert_element_type3A_722 = arith.sitofp %convert_element_type3A_721 : vector<16x2048xi32> to vector<16x2048xf32>
      %swap3A_723 = arith.constant 0 : index
      %swap3A_724 = arith.constant 27 : index
      %swap3A_725 = arith.constant 0 : index
      %swap3A_726 = vector.load %arg8[%swap3A_723, %swap3A_724, %swap3A_725] : memref<16x40x2048xf32, #tpu.memory_space<vmem>>, vector<16x1x2048xf32>
      %swap3A_727 = vector.shape_cast %swap3A_726 : vector<16x1x2048xf32> to vector<16x2048xf32>
      %swap3A_728 = vector.shape_cast %convert_element_type3A_722 : vector<16x2048xf32> to vector<16x1x2048xf32>
      tpu.vector_store %arg8[%swap3A_723, %swap3A_724, %swap3A_725], %swap3A_728 {strides = array<i32>} : memref<16x40x2048xf32, #tpu.memory_space<vmem>>, vector<16x1x2048xf32>,
      %eq3A_729 = vector.broadcast %broadcast_in_dim3A_718 : vector<16x1xi32> to vector<16x2048xi32>
      %eq3A_730 = arith.cmpi eq, %iota3A, %eq3A_729 : vector<16x2048xi32>
      %jit3A_731 = arith.constant 0xFF800000 : f32
      %broadcast_in_dim3A_732 = vector.broadcast %jit3A_731 : f32 to vector<16x2048xf32>
      %select_n3A_733 = arith.select %eq3A_730, %broadcast_in_dim3A_732, %select_n3A_707 : vector<16x2048xi1>, vector<16x2048xf32>
      %reduce_max3A_734 = arith.constant dense<0xFF800000> : vector<16xf32>
      %reduce_max3A_735 = vector.multi_reduction <maximumf>, %select_n3A_733, %reduce_max3A_734 [1] : vector<16x2048xf32> to vector<16xf32>
      %broadcast_in_dim3A_736 = vector.shape_cast %reduce_max3A_735 : vector<16xf32> to vector<16x1xf32>
      %eq3A_737 = vector.broadcast %broadcast_in_dim3A_736 : vector<16x1xf32> to vector<16x2048xf32>
      %eq3A_738 = arith.cmpf oeq, %select_n3A_733, %eq3A_737 : vector<16x2048xf32>
      %jit3A_739 = arith.constant 2048 : i32
      %broadcast_in_dim3A_740 = vector.broadcast %jit3A_739 : i32 to vector<16x2048xi32>
      %select_n3A_741 = arith.select %eq3A_738, %iota3A, %broadcast_in_dim3A_740 : vector<16x2048xi1>, vector<16x2048xi32>
      %reduce_min3A_742 = arith.constant dense<2147483647> : vector<16xi32>
      %reduce_min3A_743 = vector.multi_reduction <minsi>, %select_n3A_741, %reduce_min3A_742 [1] : vector<16x2048xi32> to vector<16xi32>
      %broadcast_in_dim3A_744 = vector.shape_cast %reduce_min3A_743 : vector<16xi32> to vector<16x1xi32>
      %eq3A_745 = vector.broadcast %broadcast_in_dim3A_744 : vector<16x1xi32> to vector<16x2048xi32>
      %eq3A_746 = arith.cmpi eq, %iota3A, %eq3A_745 : vector<16x2048xi32>
      %convert_element_type3A_747 = arith.extui %eq3A_746 : vector<16x2048xi1> to vector<16x2048xi32>
      %convert_element_type3A_748 = arith.sitofp %convert_element_type3A_747 : vector<16x2048xi32> to vector<16x2048xf32>
      %swap3A_749 = arith.constant 0 : index
      %swap3A_750 = arith.constant 28 : index
      %swap3A_751 = arith.constant 0 : index
      %swap3A_752 = vector.load %arg8[%swap3A_749, %swap3A_750, %swap3A_751] : memref<16x40x2048xf32, #tpu.memory_space<vmem>>, vector<16x1x2048xf32>
      %swap3A_753 = vector.shape_cast %swap3A_752 : vector<16x1x2048xf32> to vector<16x2048xf32>
      %swap3A_754 = vector.shape_cast %convert_element_type3A_748 : vector<16x2048xf32> to vector<16x1x2048xf32>
      tpu.vector_store %arg8[%swap3A_749, %swap3A_750, %swap3A_751], %swap3A_754 {strides = array<i32>} : memref<16x40x2048xf32, #tpu.memory_space<vmem>>, vector<16x1x2048xf32>,
      %eq3A_755 = vector.broadcast %broadcast_in_dim3A_744 : vector<16x1xi32> to vector<16x2048xi32>
      %eq3A_756 = arith.cmpi eq, %iota3A, %eq3A_755 : vector<16x2048xi32>
      %jit3A_757 = arith.constant 0xFF800000 : f32
      %broadcast_in_dim3A_758 = vector.broadcast %jit3A_757 : f32 to vector<16x2048xf32>
      %select_n3A_759 = arith.select %eq3A_756, %broadcast_in_dim3A_758, %select_n3A_733 : vector<16x2048xi1>, vector<16x2048xf32>
      %reduce_max3A_760 = arith.constant dense<0xFF800000> : vector<16xf32>
      %reduce_max3A_761 = vector.multi_reduction <maximumf>, %select_n3A_759, %reduce_max3A_760 [1] : vector<16x2048xf32> to vector<16xf32>
      %broadcast_in_dim3A_762 = vector.shape_cast %reduce_max3A_761 : vector<16xf32> to vector<16x1xf32>
      %eq3A_763 = vector.broadcast %broadcast_in_dim3A_762 : vector<16x1xf32> to vector<16x2048xf32>
      %eq3A_764 = arith.cmpf oeq, %select_n3A_759, %eq3A_763 : vector<16x2048xf32>
      %jit3A_765 = arith.constant 2048 : i32
      %broadcast_in_dim3A_766 = vector.broadcast %jit3A_765 : i32 to vector<16x2048xi32>
      %select_n3A_767 = arith.select %eq3A_764, %iota3A, %broadcast_in_dim3A_766 : vector<16x2048xi1>, vector<16x2048xi32>
      %reduce_min3A_768 = arith.constant dense<2147483647> : vector<16xi32>
      %reduce_min3A_769 = vector.multi_reduction <minsi>, %select_n3A_767, %reduce_min3A_768 [1] : vector<16x2048xi32> to vector<16xi32>
      %broadcast_in_dim3A_770 = vector.shape_cast %reduce_min3A_769 : vector<16xi32> to vector<16x1xi32>
      %eq3A_771 = vector.broadcast %broadcast_in_dim3A_770 : vector<16x1xi32> to vector<16x2048xi32>
      %eq3A_772 = arith.cmpi eq, %iota3A, %eq3A_771 : vector<16x2048xi32>
      %convert_element_type3A_773 = arith.extui %eq3A_772 : vector<16x2048xi1> to vector<16x2048xi32>
      %convert_element_type3A_774 = arith.sitofp %convert_element_type3A_773 : vector<16x2048xi32> to vector<16x2048xf32>
      %swap3A_775 = arith.constant 0 : index
      %swap3A_776 = arith.constant 29 : index
      %swap3A_777 = arith.constant 0 : index
      %swap3A_778 = vector.load %arg8[%swap3A_775, %swap3A_776, %swap3A_777] : memref<16x40x2048xf32, #tpu.memory_space<vmem>>, vector<16x1x2048xf32>
      %swap3A_779 = vector.shape_cast %swap3A_778 : vector<16x1x2048xf32> to vector<16x2048xf32>
      %swap3A_780 = vector.shape_cast %convert_element_type3A_774 : vector<16x2048xf32> to vector<16x1x2048xf32>
      tpu.vector_store %arg8[%swap3A_775, %swap3A_776, %swap3A_777], %swap3A_780 {strides = array<i32>} : memref<16x40x2048xf32, #tpu.memory_space<vmem>>, vector<16x1x2048xf32>,
      %eq3A_781 = vector.broadcast %broadcast_in_dim3A_770 : vector<16x1xi32> to vector<16x2048xi32>
      %eq3A_782 = arith.cmpi eq, %iota3A, %eq3A_781 : vector<16x2048xi32>
      %jit3A_783 = arith.constant 0xFF800000 : f32
      %broadcast_in_dim3A_784 = vector.broadcast %jit3A_783 : f32 to vector<16x2048xf32>
      %select_n3A_785 = arith.select %eq3A_782, %broadcast_in_dim3A_784, %select_n3A_759 : vector<16x2048xi1>, vector<16x2048xf32>
      %reduce_max3A_786 = arith.constant dense<0xFF800000> : vector<16xf32>
      %reduce_max3A_787 = vector.multi_reduction <maximumf>, %select_n3A_785, %reduce_max3A_786 [1] : vector<16x2048xf32> to vector<16xf32>
      %broadcast_in_dim3A_788 = vector.shape_cast %reduce_max3A_787 : vector<16xf32> to vector<16x1xf32>
      %eq3A_789 = vector.broadcast %broadcast_in_dim3A_788 : vector<16x1xf32> to vector<16x2048xf32>
      %eq3A_790 = arith.cmpf oeq, %select_n3A_785, %eq3A_789 : vector<16x2048xf32>
      %jit3A_791 = arith.constant 2048 : i32
      %broadcast_in_dim3A_792 = vector.broadcast %jit3A_791 : i32 to vector<16x2048xi32>
      %select_n3A_793 = arith.select %eq3A_790, %iota3A, %broadcast_in_dim3A_792 : vector<16x2048xi1>, vector<16x2048xi32>
      %reduce_min3A_794 = arith.constant dense<2147483647> : vector<16xi32>
      %reduce_min3A_795 = vector.multi_reduction <minsi>, %select_n3A_793, %reduce_min3A_794 [1] : vector<16x2048xi32> to vector<16xi32>
      %broadcast_in_dim3A_796 = vector.shape_cast %reduce_min3A_795 : vector<16xi32> to vector<16x1xi32>
      %eq3A_797 = vector.broadcast %broadcast_in_dim3A_796 : vector<16x1xi32> to vector<16x2048xi32>
      %eq3A_798 = arith.cmpi eq, %iota3A, %eq3A_797 : vector<16x2048xi32>
      %convert_element_type3A_799 = arith.extui %eq3A_798 : vector<16x2048xi1> to vector<16x2048xi32>
      %convert_element_type3A_800 = arith.sitofp %convert_element_type3A_799 : vector<16x2048xi32> to vector<16x2048xf32>
      %swap3A_801 = arith.constant 0 : index
      %swap3A_802 = arith.constant 30 : index
      %swap3A_803 = arith.constant 0 : index
      %swap3A_804 = vector.load %arg8[%swap3A_801, %swap3A_802, %swap3A_803] : memref<16x40x2048xf32, #tpu.memory_space<vmem>>, vector<16x1x2048xf32>
      %swap3A_805 = vector.shape_cast %swap3A_804 : vector<16x1x2048xf32> to vector<16x2048xf32>
      %swap3A_806 = vector.shape_cast %convert_element_type3A_800 : vector<16x2048xf32> to vector<16x1x2048xf32>
      tpu.vector_store %arg8[%swap3A_801, %swap3A_802, %swap3A_803], %swap3A_806 {strides = array<i32>} : memref<16x40x2048xf32, #tpu.memory_space<vmem>>, vector<16x1x2048xf32>,
      %eq3A_807 = vector.broadcast %broadcast_in_dim3A_796 : vector<16x1xi32> to vector<16x2048xi32>
      %eq3A_808 = arith.cmpi eq, %iota3A, %eq3A_807 : vector<16x2048xi32>
      %jit3A_809 = arith.constant 0xFF800000 : f32
      %broadcast_in_dim3A_810 = vector.broadcast %jit3A_809 : f32 to vector<16x2048xf32>
      %select_n3A_811 = arith.select %eq3A_808, %broadcast_in_dim3A_810, %select_n3A_785 : vector<16x2048xi1>, vector<16x2048xf32>
      %reduce_max3A_812 = arith.constant dense<0xFF800000> : vector<16xf32>
      %reduce_max3A_813 = vector.multi_reduction <maximumf>, %select_n3A_811, %reduce_max3A_812 [1] : vector<16x2048xf32> to vector<16xf32>
      %broadcast_in_dim3A_814 = vector.shape_cast %reduce_max3A_813 : vector<16xf32> to vector<16x1xf32>
      %eq3A_815 = vector.broadcast %broadcast_in_dim3A_814 : vector<16x1xf32> to vector<16x2048xf32>
      %eq3A_816 = arith.cmpf oeq, %select_n3A_811, %eq3A_815 : vector<16x2048xf32>
      %jit3A_817 = arith.constant 2048 : i32
      %broadcast_in_dim3A_818 = vector.broadcast %jit3A_817 : i32 to vector<16x2048xi32>
      %select_n3A_819 = arith.select %eq3A_816, %iota3A, %broadcast_in_dim3A_818 : vector<16x2048xi1>, vector<16x2048xi32>
      %reduce_min3A_820 = arith.constant dense<2147483647> : vector<16xi32>
      %reduce_min3A_821 = vector.multi_reduction <minsi>, %select_n3A_819, %reduce_min3A_820 [1] : vector<16x2048xi32> to vector<16xi32>
      %broadcast_in_dim3A_822 = vector.shape_cast %reduce_min3A_821 : vector<16xi32> to vector<16x1xi32>
      %eq3A_823 = vector.broadcast %broadcast_in_dim3A_822 : vector<16x1xi32> to vector<16x2048xi32>
      %eq3A_824 = arith.cmpi eq, %iota3A, %eq3A_823 : vector<16x2048xi32>
      %convert_element_type3A_825 = arith.extui %eq3A_824 : vector<16x2048xi1> to vector<16x2048xi32>
      %convert_element_type3A_826 = arith.sitofp %convert_element_type3A_825 : vector<16x2048xi32> to vector<16x2048xf32>
      %swap3A_827 = arith.constant 0 : index
      %swap3A_828 = arith.constant 31 : index
      %swap3A_829 = arith.constant 0 : index
      %swap3A_830 = vector.load %arg8[%swap3A_827, %swap3A_828, %swap3A_829] : memref<16x40x2048xf32, #tpu.memory_space<vmem>>, vector<16x1x2048xf32>
      %swap3A_831 = vector.shape_cast %swap3A_830 : vector<16x1x2048xf32> to vector<16x2048xf32>
      %swap3A_832 = vector.shape_cast %convert_element_type3A_826 : vector<16x2048xf32> to vector<16x1x2048xf32>
      tpu.vector_store %arg8[%swap3A_827, %swap3A_828, %swap3A_829], %swap3A_832 {strides = array<i32>} : memref<16x40x2048xf32, #tpu.memory_space<vmem>>, vector<16x1x2048xf32>,
      %eq3A_833 = vector.broadcast %broadcast_in_dim3A_822 : vector<16x1xi32> to vector<16x2048xi32>
      %eq3A_834 = arith.cmpi eq, %iota3A, %eq3A_833 : vector<16x2048xi32>
      %jit3A_835 = arith.constant 0xFF800000 : f32
      %broadcast_in_dim3A_836 = vector.broadcast %jit3A_835 : f32 to vector<16x2048xf32>
      %select_n3A_837 = arith.select %eq3A_834, %broadcast_in_dim3A_836, %select_n3A_811 : vector<16x2048xi1>, vector<16x2048xf32>
      %reduce_max3A_838 = arith.constant dense<0xFF800000> : vector<16xf32>
      %reduce_max3A_839 = vector.multi_reduction <maximumf>, %select_n3A_837, %reduce_max3A_838 [1] : vector<16x2048xf32> to vector<16xf32>
      %broadcast_in_dim3A_840 = vector.shape_cast %reduce_max3A_839 : vector<16xf32> to vector<16x1xf32>
      %eq3A_841 = vector.broadcast %broadcast_in_dim3A_840 : vector<16x1xf32> to vector<16x2048xf32>
      %eq3A_842 = arith.cmpf oeq, %select_n3A_837, %eq3A_841 : vector<16x2048xf32>
      %jit3A_843 = arith.constant 2048 : i32
      %broadcast_in_dim3A_844 = vector.broadcast %jit3A_843 : i32 to vector<16x2048xi32>
      %select_n3A_845 = arith.select %eq3A_842, %iota3A, %broadcast_in_dim3A_844 : vector<16x2048xi1>, vector<16x2048xi32>
      %reduce_min3A_846 = arith.constant dense<2147483647> : vector<16xi32>
      %reduce_min3A_847 = vector.multi_reduction <minsi>, %select_n3A_845, %reduce_min3A_846 [1] : vector<16x2048xi32> to vector<16xi32>
      %broadcast_in_dim3A_848 = vector.shape_cast %reduce_min3A_847 : vector<16xi32> to vector<16x1xi32>
      %eq3A_849 = vector.broadcast %broadcast_in_dim3A_848 : vector<16x1xi32> to vector<16x2048xi32>
      %eq3A_850 = arith.cmpi eq, %iota3A, %eq3A_849 : vector<16x2048xi32>
      %convert_element_type3A_851 = arith.extui %eq3A_850 : vector<16x2048xi1> to vector<16x2048xi32>
      %convert_element_type3A_852 = arith.sitofp %convert_element_type3A_851 : vector<16x2048xi32> to vector<16x2048xf32>
      %swap3A_853 = arith.constant 0 : index
      %swap3A_854 = arith.constant 32 : index
      %swap3A_855 = arith.constant 0 : index
      %swap3A_856 = vector.load %arg8[%swap3A_853, %swap3A_854, %swap3A_855] : memref<16x40x2048xf32, #tpu.memory_space<vmem>>, vector<16x1x2048xf32>
      %swap3A_857 = vector.shape_cast %swap3A_856 : vector<16x1x2048xf32> to vector<16x2048xf32>
      %swap3A_858 = vector.shape_cast %convert_element_type3A_852 : vector<16x2048xf32> to vector<16x1x2048xf32>
      tpu.vector_store %arg8[%swap3A_853, %swap3A_854, %swap3A_855], %swap3A_858 {strides = array<i32>} : memref<16x40x2048xf32, #tpu.memory_space<vmem>>, vector<16x1x2048xf32>,
      %eq3A_859 = vector.broadcast %broadcast_in_dim3A_848 : vector<16x1xi32> to vector<16x2048xi32>
      %eq3A_860 = arith.cmpi eq, %iota3A, %eq3A_859 : vector<16x2048xi32>
      %jit3A_861 = arith.constant 0xFF800000 : f32
      %broadcast_in_dim3A_862 = vector.broadcast %jit3A_861 : f32 to vector<16x2048xf32>
      %select_n3A_863 = arith.select %eq3A_860, %broadcast_in_dim3A_862, %select_n3A_837 : vector<16x2048xi1>, vector<16x2048xf32>
      %reduce_max3A_864 = arith.constant dense<0xFF800000> : vector<16xf32>
      %reduce_max3A_865 = vector.multi_reduction <maximumf>, %select_n3A_863, %reduce_max3A_864 [1] : vector<16x2048xf32> to vector<16xf32>
      %broadcast_in_dim3A_866 = vector.shape_cast %reduce_max3A_865 : vector<16xf32> to vector<16x1xf32>
      %eq3A_867 = vector.broadcast %broadcast_in_dim3A_866 : vector<16x1xf32> to vector<16x2048xf32>
      %eq3A_868 = arith.cmpf oeq, %select_n3A_863, %eq3A_867 : vector<16x2048xf32>
      %jit3A_869 = arith.constant 2048 : i32
      %broadcast_in_dim3A_870 = vector.broadcast %jit3A_869 : i32 to vector<16x2048xi32>
      %select_n3A_871 = arith.select %eq3A_868, %iota3A, %broadcast_in_dim3A_870 : vector<16x2048xi1>, vector<16x2048xi32>
      %reduce_min3A_872 = arith.constant dense<2147483647> : vector<16xi32>
      %reduce_min3A_873 = vector.multi_reduction <minsi>, %select_n3A_871, %reduce_min3A_872 [1] : vector<16x2048xi32> to vector<16xi32>
      %broadcast_in_dim3A_874 = vector.shape_cast %reduce_min3A_873 : vector<16xi32> to vector<16x1xi32>
      %eq3A_875 = vector.broadcast %broadcast_in_dim3A_874 : vector<16x1xi32> to vector<16x2048xi32>
      %eq3A_876 = arith.cmpi eq, %iota3A, %eq3A_875 : vector<16x2048xi32>
      %convert_element_type3A_877 = arith.extui %eq3A_876 : vector<16x2048xi1> to vector<16x2048xi32>
      %convert_element_type3A_878 = arith.sitofp %convert_element_type3A_877 : vector<16x2048xi32> to vector<16x2048xf32>
      %swap3A_879 = arith.constant 0 : index
      %swap3A_880 = arith.constant 33 : index
      %swap3A_881 = arith.constant 0 : index
      %swap3A_882 = vector.load %arg8[%swap3A_879, %swap3A_880, %swap3A_881] : memref<16x40x2048xf32, #tpu.memory_space<vmem>>, vector<16x1x2048xf32>
      %swap3A_883 = vector.shape_cast %swap3A_882 : vector<16x1x2048xf32> to vector<16x2048xf32>
      %swap3A_884 = vector.shape_cast %convert_element_type3A_878 : vector<16x2048xf32> to vector<16x1x2048xf32>
      tpu.vector_store %arg8[%swap3A_879, %swap3A_880, %swap3A_881], %swap3A_884 {strides = array<i32>} : memref<16x40x2048xf32, #tpu.memory_space<vmem>>, vector<16x1x2048xf32>,
      %eq3A_885 = vector.broadcast %broadcast_in_dim3A_874 : vector<16x1xi32> to vector<16x2048xi32>
      %eq3A_886 = arith.cmpi eq, %iota3A, %eq3A_885 : vector<16x2048xi32>
      %jit3A_887 = arith.constant 0xFF800000 : f32
      %broadcast_in_dim3A_888 = vector.broadcast %jit3A_887 : f32 to vector<16x2048xf32>
      %select_n3A_889 = arith.select %eq3A_886, %broadcast_in_dim3A_888, %select_n3A_863 : vector<16x2048xi1>, vector<16x2048xf32>
      %reduce_max3A_890 = arith.constant dense<0xFF800000> : vector<16xf32>
      %reduce_max3A_891 = vector.multi_reduction <maximumf>, %select_n3A_889, %reduce_max3A_890 [1] : vector<16x2048xf32> to vector<16xf32>
      %broadcast_in_dim3A_892 = vector.shape_cast %reduce_max3A_891 : vector<16xf32> to vector<16x1xf32>
      %eq3A_893 = vector.broadcast %broadcast_in_dim3A_892 : vector<16x1xf32> to vector<16x2048xf32>
      %eq3A_894 = arith.cmpf oeq, %select_n3A_889, %eq3A_893 : vector<16x2048xf32>
      %jit3A_895 = arith.constant 2048 : i32
      %broadcast_in_dim3A_896 = vector.broadcast %jit3A_895 : i32 to vector<16x2048xi32>
      %select_n3A_897 = arith.select %eq3A_894, %iota3A, %broadcast_in_dim3A_896 : vector<16x2048xi1>, vector<16x2048xi32>
      %reduce_min3A_898 = arith.constant dense<2147483647> : vector<16xi32>
      %reduce_min3A_899 = vector.multi_reduction <minsi>, %select_n3A_897, %reduce_min3A_898 [1] : vector<16x2048xi32> to vector<16xi32>
      %broadcast_in_dim3A_900 = vector.shape_cast %reduce_min3A_899 : vector<16xi32> to vector<16x1xi32>
      %eq3A_901 = vector.broadcast %broadcast_in_dim3A_900 : vector<16x1xi32> to vector<16x2048xi32>
      %eq3A_902 = arith.cmpi eq, %iota3A, %eq3A_901 : vector<16x2048xi32>
      %convert_element_type3A_903 = arith.extui %eq3A_902 : vector<16x2048xi1> to vector<16x2048xi32>
      %convert_element_type3A_904 = arith.sitofp %convert_element_type3A_903 : vector<16x2048xi32> to vector<16x2048xf32>
      %swap3A_905 = arith.constant 0 : index
      %swap3A_906 = arith.constant 34 : index
      %swap3A_907 = arith.constant 0 : index
      %swap3A_908 = vector.load %arg8[%swap3A_905, %swap3A_906, %swap3A_907] : memref<16x40x2048xf32, #tpu.memory_space<vmem>>, vector<16x1x2048xf32>
      %swap3A_909 = vector.shape_cast %swap3A_908 : vector<16x1x2048xf32> to vector<16x2048xf32>
      %swap3A_910 = vector.shape_cast %convert_element_type3A_904 : vector<16x2048xf32> to vector<16x1x2048xf32>
      tpu.vector_store %arg8[%swap3A_905, %swap3A_906, %swap3A_907], %swap3A_910 {strides = array<i32>} : memref<16x40x2048xf32, #tpu.memory_space<vmem>>, vector<16x1x2048xf32>,
      %eq3A_911 = vector.broadcast %broadcast_in_dim3A_900 : vector<16x1xi32> to vector<16x2048xi32>
      %eq3A_912 = arith.cmpi eq, %iota3A, %eq3A_911 : vector<16x2048xi32>
      %jit3A_913 = arith.constant 0xFF800000 : f32
      %broadcast_in_dim3A_914 = vector.broadcast %jit3A_913 : f32 to vector<16x2048xf32>
      %select_n3A_915 = arith.select %eq3A_912, %broadcast_in_dim3A_914, %select_n3A_889 : vector<16x2048xi1>, vector<16x2048xf32>
      %reduce_max3A_916 = arith.constant dense<0xFF800000> : vector<16xf32>
      %reduce_max3A_917 = vector.multi_reduction <maximumf>, %select_n3A_915, %reduce_max3A_916 [1] : vector<16x2048xf32> to vector<16xf32>
      %broadcast_in_dim3A_918 = vector.shape_cast %reduce_max3A_917 : vector<16xf32> to vector<16x1xf32>
      %eq3A_919 = vector.broadcast %broadcast_in_dim3A_918 : vector<16x1xf32> to vector<16x2048xf32>
      %eq3A_920 = arith.cmpf oeq, %select_n3A_915, %eq3A_919 : vector<16x2048xf32>
      %jit3A_921 = arith.constant 2048 : i32
      %broadcast_in_dim3A_922 = vector.broadcast %jit3A_921 : i32 to vector<16x2048xi32>
      %select_n3A_923 = arith.select %eq3A_920, %iota3A, %broadcast_in_dim3A_922 : vector<16x2048xi1>, vector<16x2048xi32>
      %reduce_min3A_924 = arith.constant dense<2147483647> : vector<16xi32>
      %reduce_min3A_925 = vector.multi_reduction <minsi>, %select_n3A_923, %reduce_min3A_924 [1] : vector<16x2048xi32> to vector<16xi32>
      %broadcast_in_dim3A_926 = vector.shape_cast %reduce_min3A_925 : vector<16xi32> to vector<16x1xi32>
      %eq3A_927 = vector.broadcast %broadcast_in_dim3A_926 : vector<16x1xi32> to vector<16x2048xi32>
      %eq3A_928 = arith.cmpi eq, %iota3A, %eq3A_927 : vector<16x2048xi32>
      %convert_element_type3A_929 = arith.extui %eq3A_928 : vector<16x2048xi1> to vector<16x2048xi32>
      %convert_element_type3A_930 = arith.sitofp %convert_element_type3A_929 : vector<16x2048xi32> to vector<16x2048xf32>
      %swap3A_931 = arith.constant 0 : index
      %swap3A_932 = arith.constant 35 : index
      %swap3A_933 = arith.constant 0 : index
      %swap3A_934 = vector.load %arg8[%swap3A_931, %swap3A_932, %swap3A_933] : memref<16x40x2048xf32, #tpu.memory_space<vmem>>, vector<16x1x2048xf32>
      %swap3A_935 = vector.shape_cast %swap3A_934 : vector<16x1x2048xf32> to vector<16x2048xf32>
      %swap3A_936 = vector.shape_cast %convert_element_type3A_930 : vector<16x2048xf32> to vector<16x1x2048xf32>
      tpu.vector_store %arg8[%swap3A_931, %swap3A_932, %swap3A_933], %swap3A_936 {strides = array<i32>} : memref<16x40x2048xf32, #tpu.memory_space<vmem>>, vector<16x1x2048xf32>,
      %eq3A_937 = vector.broadcast %broadcast_in_dim3A_926 : vector<16x1xi32> to vector<16x2048xi32>
      %eq3A_938 = arith.cmpi eq, %iota3A, %eq3A_937 : vector<16x2048xi32>
      %jit3A_939 = arith.constant 0xFF800000 : f32
      %broadcast_in_dim3A_940 = vector.broadcast %jit3A_939 : f32 to vector<16x2048xf32>
      %select_n3A_941 = arith.select %eq3A_938, %broadcast_in_dim3A_940, %select_n3A_915 : vector<16x2048xi1>, vector<16x2048xf32>
      %reduce_max3A_942 = arith.constant dense<0xFF800000> : vector<16xf32>
      %reduce_max3A_943 = vector.multi_reduction <maximumf>, %select_n3A_941, %reduce_max3A_942 [1] : vector<16x2048xf32> to vector<16xf32>
      %broadcast_in_dim3A_944 = vector.shape_cast %reduce_max3A_943 : vector<16xf32> to vector<16x1xf32>
      %eq3A_945 = vector.broadcast %broadcast_in_dim3A_944 : vector<16x1xf32> to vector<16x2048xf32>
      %eq3A_946 = arith.cmpf oeq, %select_n3A_941, %eq3A_945 : vector<16x2048xf32>
      %jit3A_947 = arith.constant 2048 : i32
      %broadcast_in_dim3A_948 = vector.broadcast %jit3A_947 : i32 to vector<16x2048xi32>
      %select_n3A_949 = arith.select %eq3A_946, %iota3A, %broadcast_in_dim3A_948 : vector<16x2048xi1>, vector<16x2048xi32>
      %reduce_min3A_950 = arith.constant dense<2147483647> : vector<16xi32>
      %reduce_min3A_951 = vector.multi_reduction <minsi>, %select_n3A_949, %reduce_min3A_950 [1] : vector<16x2048xi32> to vector<16xi32>
      %broadcast_in_dim3A_952 = vector.shape_cast %reduce_min3A_951 : vector<16xi32> to vector<16x1xi32>
      %eq3A_953 = vector.broadcast %broadcast_in_dim3A_952 : vector<16x1xi32> to vector<16x2048xi32>
      %eq3A_954 = arith.cmpi eq, %iota3A, %eq3A_953 : vector<16x2048xi32>
      %convert_element_type3A_955 = arith.extui %eq3A_954 : vector<16x2048xi1> to vector<16x2048xi32>
      %convert_element_type3A_956 = arith.sitofp %convert_element_type3A_955 : vector<16x2048xi32> to vector<16x2048xf32>
      %swap3A_957 = arith.constant 0 : index
      %swap3A_958 = arith.constant 36 : index
      %swap3A_959 = arith.constant 0 : index
      %swap3A_960 = vector.load %arg8[%swap3A_957, %swap3A_958, %swap3A_959] : memref<16x40x2048xf32, #tpu.memory_space<vmem>>, vector<16x1x2048xf32>
      %swap3A_961 = vector.shape_cast %swap3A_960 : vector<16x1x2048xf32> to vector<16x2048xf32>
      %swap3A_962 = vector.shape_cast %convert_element_type3A_956 : vector<16x2048xf32> to vector<16x1x2048xf32>
      tpu.vector_store %arg8[%swap3A_957, %swap3A_958, %swap3A_959], %swap3A_962 {strides = array<i32>} : memref<16x40x2048xf32, #tpu.memory_space<vmem>>, vector<16x1x2048xf32>,
      %eq3A_963 = vector.broadcast %broadcast_in_dim3A_952 : vector<16x1xi32> to vector<16x2048xi32>
      %eq3A_964 = arith.cmpi eq, %iota3A, %eq3A_963 : vector<16x2048xi32>
      %jit3A_965 = arith.constant 0xFF800000 : f32
      %broadcast_in_dim3A_966 = vector.broadcast %jit3A_965 : f32 to vector<16x2048xf32>
      %select_n3A_967 = arith.select %eq3A_964, %broadcast_in_dim3A_966, %select_n3A_941 : vector<16x2048xi1>, vector<16x2048xf32>
      %reduce_max3A_968 = arith.constant dense<0xFF800000> : vector<16xf32>
      %reduce_max3A_969 = vector.multi_reduction <maximumf>, %select_n3A_967, %reduce_max3A_968 [1] : vector<16x2048xf32> to vector<16xf32>
      %broadcast_in_dim3A_970 = vector.shape_cast %reduce_max3A_969 : vector<16xf32> to vector<16x1xf32>
      %eq3A_971 = vector.broadcast %broadcast_in_dim3A_970 : vector<16x1xf32> to vector<16x2048xf32>
      %eq3A_972 = arith.cmpf oeq, %select_n3A_967, %eq3A_971 : vector<16x2048xf32>
      %jit3A_973 = arith.constant 2048 : i32
      %broadcast_in_dim3A_974 = vector.broadcast %jit3A_973 : i32 to vector<16x2048xi32>
      %select_n3A_975 = arith.select %eq3A_972, %iota3A, %broadcast_in_dim3A_974 : vector<16x2048xi1>, vector<16x2048xi32>
      %reduce_min3A_976 = arith.constant dense<2147483647> : vector<16xi32>
      %reduce_min3A_977 = vector.multi_reduction <minsi>, %select_n3A_975, %reduce_min3A_976 [1] : vector<16x2048xi32> to vector<16xi32>
      %broadcast_in_dim3A_978 = vector.shape_cast %reduce_min3A_977 : vector<16xi32> to vector<16x1xi32>
      %eq3A_979 = vector.broadcast %broadcast_in_dim3A_978 : vector<16x1xi32> to vector<16x2048xi32>
      %eq3A_980 = arith.cmpi eq, %iota3A, %eq3A_979 : vector<16x2048xi32>
      %convert_element_type3A_981 = arith.extui %eq3A_980 : vector<16x2048xi1> to vector<16x2048xi32>
      %convert_element_type3A_982 = arith.sitofp %convert_element_type3A_981 : vector<16x2048xi32> to vector<16x2048xf32>
      %swap3A_983 = arith.constant 0 : index
      %swap3A_984 = arith.constant 37 : index
      %swap3A_985 = arith.constant 0 : index
      %swap3A_986 = vector.load %arg8[%swap3A_983, %swap3A_984, %swap3A_985] : memref<16x40x2048xf32, #tpu.memory_space<vmem>>, vector<16x1x2048xf32>
      %swap3A_987 = vector.shape_cast %swap3A_986 : vector<16x1x2048xf32> to vector<16x2048xf32>
      %swap3A_988 = vector.shape_cast %convert_element_type3A_982 : vector<16x2048xf32> to vector<16x1x2048xf32>
      tpu.vector_store %arg8[%swap3A_983, %swap3A_984, %swap3A_985], %swap3A_988 {strides = array<i32>} : memref<16x40x2048xf32, #tpu.memory_space<vmem>>, vector<16x1x2048xf32>,
      %eq3A_989 = vector.broadcast %broadcast_in_dim3A_978 : vector<16x1xi32> to vector<16x2048xi32>
      %eq3A_990 = arith.cmpi eq, %iota3A, %eq3A_989 : vector<16x2048xi32>
      %jit3A_991 = arith.constant 0xFF800000 : f32
      %broadcast_in_dim3A_992 = vector.broadcast %jit3A_991 : f32 to vector<16x2048xf32>
      %select_n3A_993 = arith.select %eq3A_990, %broadcast_in_dim3A_992, %select_n3A_967 : vector<16x2048xi1>, vector<16x2048xf32>
      %reduce_max3A_994 = arith.constant dense<0xFF800000> : vector<16xf32>
      %reduce_max3A_995 = vector.multi_reduction <maximumf>, %select_n3A_993, %reduce_max3A_994 [1] : vector<16x2048xf32> to vector<16xf32>
      %broadcast_in_dim3A_996 = vector.shape_cast %reduce_max3A_995 : vector<16xf32> to vector<16x1xf32>
      %eq3A_997 = vector.broadcast %broadcast_in_dim3A_996 : vector<16x1xf32> to vector<16x2048xf32>
      %eq3A_998 = arith.cmpf oeq, %select_n3A_993, %eq3A_997 : vector<16x2048xf32>
      %jit3A_999 = arith.constant 2048 : i32
      %broadcast_in_dim3A_1000 = vector.broadcast %jit3A_999 : i32 to vector<16x2048xi32>
      %select_n3A_1001 = arith.select %eq3A_998, %iota3A, %broadcast_in_dim3A_1000 : vector<16x2048xi1>, vector<16x2048xi32>
      %reduce_min3A_1002 = arith.constant dense<2147483647> : vector<16xi32>
      %reduce_min3A_1003 = vector.multi_reduction <minsi>, %select_n3A_1001, %reduce_min3A_1002 [1] : vector<16x2048xi32> to vector<16xi32>
      %broadcast_in_dim3A_1004 = vector.shape_cast %reduce_min3A_1003 : vector<16xi32> to vector<16x1xi32>
      %eq3A_1005 = vector.broadcast %broadcast_in_dim3A_1004 : vector<16x1xi32> to vector<16x2048xi32>
      %eq3A_1006 = arith.cmpi eq, %iota3A, %eq3A_1005 : vector<16x2048xi32>
      %convert_element_type3A_1007 = arith.extui %eq3A_1006 : vector<16x2048xi1> to vector<16x2048xi32>
      %convert_element_type3A_1008 = arith.sitofp %convert_element_type3A_1007 : vector<16x2048xi32> to vector<16x2048xf32>
      %swap3A_1009 = arith.constant 0 : index
      %swap3A_1010 = arith.constant 38 : index
      %swap3A_1011 = arith.constant 0 : index
      %swap3A_1012 = vector.load %arg8[%swap3A_1009, %swap3A_1010, %swap3A_1011] : memref<16x40x2048xf32, #tpu.memory_space<vmem>>, vector<16x1x2048xf32>
      %swap3A_1013 = vector.shape_cast %swap3A_1012 : vector<16x1x2048xf32> to vector<16x2048xf32>
      %swap3A_1014 = vector.shape_cast %convert_element_type3A_1008 : vector<16x2048xf32> to vector<16x1x2048xf32>
      tpu.vector_store %arg8[%swap3A_1009, %swap3A_1010, %swap3A_1011], %swap3A_1014 {strides = array<i32>} : memref<16x40x2048xf32, #tpu.memory_space<vmem>>, vector<16x1x2048xf32>,
      %eq3A_1015 = vector.broadcast %broadcast_in_dim3A_1004 : vector<16x1xi32> to vector<16x2048xi32>
      %eq3A_1016 = arith.cmpi eq, %iota3A, %eq3A_1015 : vector<16x2048xi32>
      %jit3A_1017 = arith.constant 0xFF800000 : f32
      %broadcast_in_dim3A_1018 = vector.broadcast %jit3A_1017 : f32 to vector<16x2048xf32>
      %select_n3A_1019 = arith.select %eq3A_1016, %broadcast_in_dim3A_1018, %select_n3A_993 : vector<16x2048xi1>, vector<16x2048xf32>
      %reduce_max3A_1020 = arith.constant dense<0xFF800000> : vector<16xf32>
      %reduce_max3A_1021 = vector.multi_reduction <maximumf>, %select_n3A_1019, %reduce_max3A_1020 [1] : vector<16x2048xf32> to vector<16xf32>
      %broadcast_in_dim3A_1022 = vector.shape_cast %reduce_max3A_1021 : vector<16xf32> to vector<16x1xf32>
      %eq3A_1023 = vector.broadcast %broadcast_in_dim3A_1022 : vector<16x1xf32> to vector<16x2048xf32>
      %eq3A_1024 = arith.cmpf oeq, %select_n3A_1019, %eq3A_1023 : vector<16x2048xf32>
      %jit3A_1025 = arith.constant 2048 : i32
      %broadcast_in_dim3A_1026 = vector.broadcast %jit3A_1025 : i32 to vector<16x2048xi32>
      %select_n3A_1027 = arith.select %eq3A_1024, %iota3A, %broadcast_in_dim3A_1026 : vector<16x2048xi1>, vector<16x2048xi32>
      %reduce_min3A_1028 = arith.constant dense<2147483647> : vector<16xi32>
      %reduce_min3A_1029 = vector.multi_reduction <minsi>, %select_n3A_1027, %reduce_min3A_1028 [1] : vector<16x2048xi32> to vector<16xi32>
      %broadcast_in_dim3A_1030 = vector.shape_cast %reduce_min3A_1029 : vector<16xi32> to vector<16x1xi32>
      %eq3A_1031 = vector.broadcast %broadcast_in_dim3A_1030 : vector<16x1xi32> to vector<16x2048xi32>
      %eq3A_1032 = arith.cmpi eq, %iota3A, %eq3A_1031 : vector<16x2048xi32>
      %convert_element_type3A_1033 = arith.extui %eq3A_1032 : vector<16x2048xi1> to vector<16x2048xi32>
      %convert_element_type3A_1034 = arith.sitofp %convert_element_type3A_1033 : vector<16x2048xi32> to vector<16x2048xf32>
      %swap3A_1035 = arith.constant 0 : index
      %swap3A_1036 = arith.constant 39 : index
      %swap3A_1037 = arith.constant 0 : index
      %swap3A_1038 = vector.load %arg8[%swap3A_1035, %swap3A_1036, %swap3A_1037] : memref<16x40x2048xf32, #tpu.memory_space<vmem>>, vector<16x1x2048xf32>
      %swap3A_1039 = vector.shape_cast %swap3A_1038 : vector<16x1x2048xf32> to vector<16x2048xf32>
      %swap3A_1040 = vector.shape_cast %convert_element_type3A_1034 : vector<16x2048xf32> to vector<16x1x2048xf32>
      tpu.vector_store %arg8[%swap3A_1035, %swap3A_1036, %swap3A_1037], %swap3A_1040 {strides = array<i32>} : memref<16x40x2048xf32, #tpu.memory_space<vmem>>, vector<16x1x2048xf32>,
    } else {
    }
    %ge3A = arith.constant 16 : i32
    %ge3A_6 = arith.cmpi sge, %arg0, %ge3A : i32
    %convert_element_type3A_7 = arith.extui %ge3A_6 : i1 to i32
    %cond3A_8 = arith.constant 0 : i32
    %cond3A_9 = arith.cmpi ne, %convert_element_type3A_7, %cond3A_8 : i32
    scf.if %cond3A_9 {
      %sub3A = arith.constant 16 : i32
      %sub3A_10 = arith.subi %arg0, %sub3A : i32
      %get3A = arith.constant 0 : index
      %get3A_11 = arith.constant 0 : index
      %get3A_12 = arith.constant 0 : index
      %get3A_13 = vector.load %arg3[%get3A, %get3A_11, %get3A_12] : memref<1x2048x64xf32, #tpu.memory_space<vmem>>, vector<1x2048x64xf32>
      %get3A_14 = vector.shape_cast %get3A_13 : vector<1x2048x64xf32> to vector<2048x64xf32>
      %get3A_15 = arith.constant 0 : index
      %get3A_16 = arith.constant 0 : index
      %get3A_17 = arith.constant 0 : index
      %get3A_18 = vector.load %arg4[%get3A_15, %get3A_16, %get3A_17] : memref<1x2048x64xf32, #tpu.memory_space<vmem>>, vector<1x2048x64xf32>
      %get3A_19 = vector.shape_cast %get3A_18 : vector<1x2048x64xf32> to vector<2048x64xf32>
      %get3A_20 = arith.constant 0 : index
      %get3A_21 = arith.constant 0 : index
      %get3A_22 = arith.constant 0 : index
      %get3A_23 = vector.load %arg5[%get3A_20, %get3A_21, %get3A_22] : memref<1x2048x64xf32, #tpu.memory_space<vmem>>, vector<1x2048x64xf32>
      %get3A_24 = vector.shape_cast %get3A_23 : vector<1x2048x64xf32> to vector<2048x64xf32>
      %get3A_25 = arith.index_cast %sub3A_10 : i32 to index
      %get3A_26 = arith.constant 0 : index
      %get3A_27 = arith.constant 0 : index
      %get3A_28 = vector.load %arg8[%get3A_25, %get3A_26, %get3A_27] : memref<16x40x2048xf32, #tpu.memory_space<vmem>>, vector<1x40x2048xf32>
      %get3A_29 = vector.shape_cast %get3A_28 : vector<1x40x2048xf32> to vector<40x2048xf32>
      %dot_general3A = arith.constant dense<0.000000e+00> : vector<40x64xf32>
      %dot_general3A_30 = tpu.matmul %get3A_29, %get3A_14, %dot_general3A {dimension_numbers = #tpu.dot_dimension_numbers<[1], [0], [0], [1], [0, 0, 1, 1], [], []>, transpose_lhs_hint = false} : vector<40x2048xf32>, vector<2048x64xf32>, vector<40x64xf32> -> vector<40x64xf32>
      %dot_general3A_31 = arith.constant dense<0.000000e+00> : vector<40x2048xf32>
      %dot_general3A_32 = tpu.matmul %dot_general3A_30, %get3A_19, %dot_general3A_31 {dimension_numbers = #tpu.dot_dimension_numbers<[1], [1], [0], [0], [0, 0, 1, 0], [], []>, transpose_lhs_hint = false} : vector<40x64xf32>, vector<2048x64xf32>, vector<40x2048xf32> -> vector<40x2048xf32>
      %mul3A = arith.constant 1.250000e-01 : f32
      %mul3A_33 = vector.broadcast %mul3A : f32 to vector<40x2048xf32>
      %mul3A_34 = arith.mulf %dot_general3A_32, %mul3A_33 : vector<40x2048xf32>
      %get3A_35 = arith.constant 0 : index
      %get3A_36 = arith.constant 0 : index
      %get3A_37 = vector.load %arg2[%get3A_35, %get3A_36] : memref<1x2048xi32, #tpu.memory_space<vmem>>, vector<1x2048xi32>
      %eq3A_38 = arith.constant 0 : i32
      %eq3A_39 = vector.broadcast %eq3A_38 : i32 to vector<1x2048xi32>
      %eq3A_40 = arith.cmpi eq, %get3A_37, %eq3A_39 : vector<1x2048xi32>
      %jit3A = arith.constant 0xFF800000 : f32
      %broadcast_in_dim3A = vector.shape_cast %eq3A_40 : vector<1x2048xi1> to vector<1x2048xi1>
      %broadcast_in_dim3A_41 = vector.broadcast %broadcast_in_dim3A : vector<1x2048xi1> to vector<40x2048xi1>
      %broadcast_in_dim3A_42 = vector.broadcast %jit3A : f32 to vector<40x2048xf32>
      %select_n3A = arith.select %broadcast_in_dim3A_41, %broadcast_in_dim3A_42, %mul3A_34 : vector<40x2048xi1>, vector<40x2048xf32>
      %reduce_max3A = arith.constant dense<0xFF800000> : vector<40xf32>
      %reduce_max3A_43 = vector.multi_reduction <maximumf>, %select_n3A, %reduce_max3A [1] : vector<40x2048xf32> to vector<40xf32>
      %broadcast_in_dim3A_44 = vector.shape_cast %reduce_max3A_43 : vector<40xf32> to vector<40x1xf32>
      %sub3A_45 = vector.broadcast %broadcast_in_dim3A_44 : vector<40x1xf32> to vector<40x2048xf32>
      %sub3A_46 = arith.subf %select_n3A, %sub3A_45 : vector<40x2048xf32>
      %exp3A = math.exp %sub3A_46 : vector<40x2048xf32>
      %reduce_sum3A = arith.constant dense<0.000000e+00> : vector<40xf32>
      %reduce_sum3A_47 = vector.multi_reduction <add>, %exp3A, %reduce_sum3A [1] : vector<40x2048xf32> to vector<40xf32>
      %broadcast_in_dim3A_48 = vector.shape_cast %reduce_sum3A_47 : vector<40xf32> to vector<40x1xf32>
      %div3A = vector.broadcast %broadcast_in_dim3A_48 : vector<40x1xf32> to vector<40x2048xf32>
      %div3A_49 = arith.divf %exp3A, %div3A : vector<40x2048xf32>
      %dot_general3A_50 = arith.constant dense<0.000000e+00> : vector<40x64xf32>
      %dot_general3A_51 = tpu.matmul %div3A_49, %get3A_24, %dot_general3A_50 {dimension_numbers = #tpu.dot_dimension_numbers<[1], [0], [0], [1], [0, 0, 1, 1], [], []>, transpose_lhs_hint = false} : vector<40x2048xf32>, vector<2048x64xf32>, vector<40x64xf32> -> vector<40x64xf32>
      %swap3A = arith.constant 0 : index
      %swap3A_52 = arith.constant 0 : index
      %swap3A_53 = arith.constant 0 : index
      %swap3A_54 = vector.load %arg6[%swap3A, %swap3A_52, %swap3A_53] : memref<1x40x64xf32, #tpu.memory_space<vmem>>, vector<1x40x64xf32>
      %swap3A_55 = vector.shape_cast %swap3A_54 : vector<1x40x64xf32> to vector<40x64xf32>
      %swap3A_56 = vector.shape_cast %dot_general3A_51 : vector<40x64xf32> to vector<1x40x64xf32>
      tpu.vector_store %arg6[%swap3A, %swap3A_52, %swap3A_53], %swap3A_56 {strides = array<i32>} : memref<1x40x64xf32, #tpu.memory_space<vmem>>, vector<1x40x64xf32>,
    } else {
    }
    return
  }
  func.func @transform_0(%arg0: i32) -> (i32, i32) {
    %c0_i32 = arith.constant 0 : i32
    %c0_i32_0 = arith.constant 0 : i32
    %c0_i32_1 = arith.constant 0 : i32
    return %c0_i32, %c0_i32_0 : i32, i32
  }
  func.func @transform_1(%arg0: i32) -> (i32, i32) {
    %jit3A = arith.constant 16 : i32
    %eq3A = arith.constant 0 : i32
    %eq3A_0 = arith.cmpi eq, %jit3A, %eq3A : i32
    %jit3A_1 = arith.constant 1 : i32
    %select_n3A = arith.select %eq3A_0, %jit3A_1, %jit3A : i32
    %rem3A = arith.remsi %arg0, %select_n3A : i32
    %ne3A = arith.constant 0 : i32
    %ne3A_2 = arith.cmpi ne, %rem3A, %ne3A : i32
    %lt3A = arith.constant 0 : i32
    %lt3A_3 = arith.cmpi slt, %rem3A, %lt3A : i32
    %lt3A_4 = arith.constant 0 : i32
    %lt3A_5 = arith.cmpi slt, %select_n3A, %lt3A_4 : i32
    %ne3A_6 = arith.xori %lt3A_3, %lt3A_5 : i1
    %and3A = arith.andi %ne3A_6, %ne3A_2 : i1
    %add3A = arith.addi %rem3A, %select_n3A : i32
    %select_n3A_7 = arith.select %and3A, %add3A, %rem3A : i32
    %jit3A_8 = arith.constant 16 : i32
    %div3A = arith.divsi %select_n3A_7, %jit3A_8 : i32
    %sign3A = arith.constant 0 : i32
    %sign3A_9 = arith.cmpi sgt, %select_n3A_7, %sign3A : i32
    %sign3A_10 = arith.extui %sign3A_9 : i1 to i32
    %sign3A_11 = arith.constant 0 : i32
    %sign3A_12 = arith.cmpi slt, %select_n3A_7, %sign3A_11 : i32
    %sign3A_13 = arith.extui %sign3A_12 : i1 to i32
    %sign3A_14 = arith.subi %sign3A_10, %sign3A_13 : i32
    %sign3A_15 = arith.constant 0 : i32
    %sign3A_16 = arith.cmpi sgt, %jit3A_8, %sign3A_15 : i32
    %sign3A_17 = arith.extui %sign3A_16 : i1 to i32
    %sign3A_18 = arith.constant 0 : i32
    %sign3A_19 = arith.cmpi slt, %jit3A_8, %sign3A_18 : i32
    %sign3A_20 = arith.extui %sign3A_19 : i1 to i32
    %sign3A_21 = arith.subi %sign3A_17, %sign3A_20 : i32
    %ne3A_22 = arith.cmpi ne, %sign3A_14, %sign3A_21 : i32
    %rem3A_23 = arith.remsi %select_n3A_7, %jit3A_8 : i32
    %ne3A_24 = arith.constant 0 : i32
    %ne3A_25 = arith.cmpi ne, %rem3A_23, %ne3A_24 : i32
    %and3A_26 = arith.andi %ne3A_22, %ne3A_25 : i1
    %sub3A = arith.constant 1 : i32
    %sub3A_27 = arith.subi %div3A, %sub3A : i32
    %select_n3A_28 = arith.select %and3A_26, %sub3A_27, %div3A : i32
    %c0_i32 = arith.constant 0 : i32
    %c0_i32_29 = arith.constant 0 : i32
    return %select_n3A_28, %c0_i32 : i32, i32
  }
  func.func @transform_2(%arg0: i32) -> (i32, i32, i32) {
    %jit3A = arith.constant 16 : i32
    %eq3A = arith.constant 0 : i32
    %eq3A_0 = arith.cmpi eq, %jit3A, %eq3A : i32
    %jit3A_1 = arith.constant 1 : i32
    %select_n3A = arith.select %eq3A_0, %jit3A_1, %jit3A : i32
    %rem3A = arith.remsi %arg0, %select_n3A : i32
    %ne3A = arith.constant 0 : i32
    %ne3A_2 = arith.cmpi ne, %rem3A, %ne3A : i32
    %lt3A = arith.constant 0 : i32
    %lt3A_3 = arith.cmpi slt, %rem3A, %lt3A : i32
    %lt3A_4 = arith.constant 0 : i32
    %lt3A_5 = arith.cmpi slt, %select_n3A, %lt3A_4 : i32
    %ne3A_6 = arith.xori %lt3A_3, %lt3A_5 : i1
    %and3A = arith.andi %ne3A_6, %ne3A_2 : i1
    %add3A = arith.addi %rem3A, %select_n3A : i32
    %select_n3A_7 = arith.select %and3A, %add3A, %rem3A : i32
    %c0_i32 = arith.constant 0 : i32
    %c0_i32_8 = arith.constant 0 : i32
    %c0_i32_9 = arith.constant 0 : i32
    return %select_n3A_7, %c0_i32, %c0_i32_8 : i32, i32, i32
  }
  func.func @transform_3(%arg0: i32) -> (i32, i32, i32) {
    %jit3A = arith.constant 16 : i32
    %eq3A = arith.constant 0 : i32
    %eq3A_0 = arith.cmpi eq, %jit3A, %eq3A : i32
    %jit3A_1 = arith.constant 1 : i32
    %select_n3A = arith.select %eq3A_0, %jit3A_1, %jit3A : i32
    %rem3A = arith.remsi %arg0, %select_n3A : i32
    %ne3A = arith.constant 0 : i32
    %ne3A_2 = arith.cmpi ne, %rem3A, %ne3A : i32
    %lt3A = arith.constant 0 : i32
    %lt3A_3 = arith.cmpi slt, %rem3A, %lt3A : i32
    %lt3A_4 = arith.constant 0 : i32
    %lt3A_5 = arith.cmpi slt, %select_n3A, %lt3A_4 : i32
    %ne3A_6 = arith.xori %lt3A_3, %lt3A_5 : i1
    %and3A = arith.andi %ne3A_6, %ne3A_2 : i1
    %add3A = arith.addi %rem3A, %select_n3A : i32
    %select_n3A_7 = arith.select %and3A, %add3A, %rem3A : i32
    %c0_i32 = arith.constant 0 : i32
    %c0_i32_8 = arith.constant 0 : i32
    %c0_i32_9 = arith.constant 0 : i32
    return %select_n3A_7, %c0_i32, %c0_i32_8 : i32, i32, i32
  }
  func.func @transform_4(%arg0: i32) -> (i32, i32, i32) {
    %jit3A = arith.constant 16 : i32
    %eq3A = arith.constant 0 : i32
    %eq3A_0 = arith.cmpi eq, %jit3A, %eq3A : i32
    %jit3A_1 = arith.constant 1 : i32
    %select_n3A = arith.select %eq3A_0, %jit3A_1, %jit3A : i32
    %rem3A = arith.remsi %arg0, %select_n3A : i32
    %ne3A = arith.constant 0 : i32
    %ne3A_2 = arith.cmpi ne, %rem3A, %ne3A : i32
    %lt3A = arith.constant 0 : i32
    %lt3A_3 = arith.cmpi slt, %rem3A, %lt3A : i32
    %lt3A_4 = arith.constant 0 : i32
    %lt3A_5 = arith.cmpi slt, %select_n3A, %lt3A_4 : i32
    %ne3A_6 = arith.xori %lt3A_3, %lt3A_5 : i1
    %and3A = arith.andi %ne3A_6, %ne3A_2 : i1
    %add3A = arith.addi %rem3A, %select_n3A : i32
    %select_n3A_7 = arith.select %and3A, %add3A, %rem3A : i32
    %c0_i32 = arith.constant 0 : i32
    %c0_i32_8 = arith.constant 0 : i32
    %c0_i32_9 = arith.constant 0 : i32
    return %select_n3A_7, %c0_i32, %c0_i32_8 : i32, i32, i32
  }
  func.func @transform_5(%arg0: i32) -> (i32, i32, i32) {
    %jit3A = arith.constant 16 : i32
    %eq3A = arith.constant 0 : i32
    %eq3A_0 = arith.cmpi eq, %jit3A, %eq3A : i32
    %jit3A_1 = arith.constant 1 : i32
    %select_n3A = arith.select %eq3A_0, %jit3A_1, %jit3A : i32
    %rem3A = arith.remsi %arg0, %select_n3A : i32
    %ne3A = arith.constant 0 : i32
    %ne3A_2 = arith.cmpi ne, %rem3A, %ne3A : i32
    %lt3A = arith.constant 0 : i32
    %lt3A_3 = arith.cmpi slt, %rem3A, %lt3A : i32
    %lt3A_4 = arith.constant 0 : i32
    %lt3A_5 = arith.cmpi slt, %select_n3A, %lt3A_4 : i32
    %ne3A_6 = arith.xori %lt3A_3, %lt3A_5 : i1
    %and3A = arith.andi %ne3A_6, %ne3A_2 : i1
    %add3A = arith.addi %rem3A, %select_n3A : i32
    %select_n3A_7 = arith.select %and3A, %add3A, %rem3A : i32
    %c0_i32 = arith.constant 0 : i32
    %c0_i32_8 = arith.constant 0 : i32
    %c0_i32_9 = arith.constant 0 : i32
    return %select_n3A_7, %c0_i32, %c0_i32_8 : i32, i32, i32
  }
}

</mosaic_0001>

<sc_bundles>
// kernel: kernel.4.cloned.1.call-start
scs
__scs_entry_jumppad:
0x0: {  	(pc) =	sbr.rel $0x88, $3  }
0x1: {  	(tag) =	ssettag $0x0;
	lr =	simm.s32 $0x1  }
0x2: {  	[smem:$0x3F9D] =	sst lr;
	_ =	strace $0xD0000000  }
0x3: {  	_ = 	snop  }
0x4: {  	_ = 	snop  }
0x5: {  	_ = 	snop  }
0x6: {  	_ = 	snop  }
0x7: {  	_ = 	snop  }
__scs_overlays_trampoline_lowered:
0x8: {  	[smem:$0x3FAC] =	sst s0  }
0x9: {  	[smem:$0x3FAD] =	sst s1  }
0xa: {  	[smem:$0x3FAE] =	sst s2  }
0xb: {  	[smem:$0x3FAF] =	sst s3  }
0xc: {  	[smem:$0x3FB0] =	sst s4  }
0xd: {  	[smem:$0x3FB1] =	sst s5  }
0xe: {  	[smem:$0x3FB2] =	sst s6  }
0xf: {  	[smem:$0x3FB3] =	sst s7  }
0x10: {  	[smem:$0x3FB4] =	sst s8  }
0x11: {  	[smem:$0x3FB5] =	sst s9;
	s0 =	simm.s32 @!p0 $0x0  }
0x12: {  	s1 =	sld [smem:$0x3F9B];
	s0 =	simm.s32 @p0 $0x1  }
0x13: {  	[smem:$0x3FB6] =	sst s0;
	s0 =	simm.s32 @!p1 $0x0  }
0x14: {  	s2 =	sld [smem:$0x3F9A];
	s0 =	simm.s32 @p1 $0x1  }
0x15: {  	[smem:$0x3FB7] =	sst s0;
	s0 =	simm.s32 @!p2 $0x0  }
0x16: {  	s3 =	sld [smem:$0x3FDB];
	s0 =	simm.s32 @p2 $0x1  }
0x17: {  	s4 =	simm.s32 $0x1BF5;
	[smem:$0x3FB9] =	sst s0  }
0x18: {  	s0 =	sld [smem:$0x3F9C];
	_ =	swait.ge [sflag:s4], $0x0  }
0x19: {  	s7 =	sld [smem:$0x3F9D]  }
0x1a: {  	s8 =	sadd.s32 $0xFFFFE003, lr  }
0x1b: {  	s9 =	sadd.s32 $0xFFFFFEF7, lr;
	s5 =	simm.s32 $0xFFFFFFFF;
	p2 =	slt.u32 s8, $0xFFFFF086  }
0x1c: {  	p1 =	slt.u32 s9, $0xF7A;
	s5 =	simm.s32 @!p2 $0x0  }
0x1d: {  	s5 =	simm.s32 @p1 $0x1;
	p0 =	seq.s32 s7, s2  }
0x1e: {  	s7 =	smul.u32 @!p0 $0xF7A, s2;
	p2 =	seq.s32 @!p0 s5, $0x0  }
0x1f: {  	s9 =	smul.u32 $0xF7A, s1;
	s8 =	simm.s32 @!p0 $0x1BF5;
	p2 =	por !p2, p0  }
0x20: {  	[sflag:s8] =	ssyncset.s32 @!p0 $0xFFFFF086;
	s6 =	sadd.s32 @!p0 s3, s7;
	s7 =	simm.s32 @!p0 $0x108  }
0x21: {  	s3 =	sadd.s32 s3, s9;
	s6 =	sadd.s32 @!p0 $0x88, s6;
	s7 =	simm.s32 @p2 $0x1082  }
0x22: {  	[simem:s7], [sflag:s8] =	dma.local @!p0 [hbm:s6], $0xF7A  }
0x23: {  	s9 =	sor.u32 $0xD0000000, s2;
	s6 =	simm.s32 $0x108;
	_ =	swait.ge @!p0 [sflag:s8], $0x0  }
0x24: {  	s3 =	sadd.s32 $0x88, s3;
	s6 =	simm.s32 @!p1 $0x1082;
	[sflag:s4] =	ssyncset.s32 $0xFFFFF086  }
0x25: {  	[simem:s6], [sflag:s4] =	dma.local [hbm:s3], $0xF7A  }
0x26: {  	[smem:$0x3F9D] =	sst s1;
	(tag) =	ssettag s2;
	_ =	strace s9  }
0x27: {  	s1 =	sld [smem:$0x3FAD]  }
0x28: {  	s2 =	sld [smem:$0x3FAE]  }
0x29: {  	s4 =	sld [smem:$0x3FB0]  }
0x2a: {  	p0 =	seq.s32 s5, $0x0;
	s5 =	sld [smem:$0x3FB1]  }
0x2b: {  	s6 =	sld [smem:$0x3FB2]  }
0x2c: {  	s7 =	sld [smem:$0x3FB3]  }
0x2d: {  	s3 =	simm.s32 $0x108;
	s8 =	sld [smem:$0x3FB4]  }
0x2e: {  	s3 =	simm.s32 @!p0 $0x1082;
	s9 =	sld [smem:$0x3FB5]  }
0x2f: {  	lr =	sadd.s32 s0, s3;
	s0 =	sld [smem:$0x3FAC]  }
0x30: {  	s3 =	sld [smem:$0x3FAF]  }
0x31: {  	[smem:$0x3FB8] =	sst s10  }
0x32: {  	s10 =	sld [smem:$0x3FB6];
	_ =	sdelay $0x3  }
0x33: {  	p0 =	seq.s32 s10, $0x1;
	s10 =	sld [smem:$0x3FB8];
	_ =	sdelay $0x3  }
0x34: {  	[smem:$0x3FB8] =	sst s10  }
0x35: {  	s10 =	sld [smem:$0x3FB7];
	_ =	sdelay $0x3  }
0x36: {  	p1 =	seq.s32 s10, $0x1;
	s10 =	sld [smem:$0x3FB8];
	_ =	sdelay $0x3  }
0x37: {  	[smem:$0x3FB8] =	sst s10  }
0x38: {  	s10 =	sld [smem:$0x3FB9]  }
0x39: {  	_ = 	snop;
	(pc) =	sbr.ind lr, $3  }
0x3a: {  	_ = 	snop  }
0x3b: {  	_ = 	snop  }
0x3c: {  	p2 =	seq.s32 s10, $0x1;
	s10 =	sld [smem:$0x3FB8]  }
0x3d: {  	_ =	shalt  }
0x3e: {  	_ =	shalt  }
0x3f: {  	_ =	shalt  }
0x40: {  	_ =	shalt  }
0x41: {  	_ =	shalt  }
0x42: {  	_ =	shalt  }
0x43: {  	_ =	shalt  }
0x44: {  	_ =	shalt  }
0x45: {  	_ =	shalt  }
0x46: {  	_ =	shalt  }
0x47: {  	_ =	shalt  }
0x48: {  	_ =	shalt  }
0x49: {  	_ =	shalt  }
0x4a: {  	_ =	shalt  }
0x4b: {  	_ =	shalt  }
0x4c: {  	_ =	shalt  }
0x4d: {  	_ =	shalt  }
0x4e: {  	_ =	shalt  }
0x4f: {  	_ =	shalt  }
0x50: {  	_ =	shalt  }
0x51: {  	_ =	shalt  }
0x52: {  	_ =	shalt  }
0x53: {  	_ =	shalt  }
0x54: {  	_ =	shalt  }
0x55: {  	_ =	shalt  }
0x56: {  	_ =	shalt  }
0x57: {  	_ =	shalt  }
0x58: {  	_ =	shalt  }
0x59: {  	_ =	shalt  }
0x5a: {  	_ =	shalt  }
0x5b: {  	_ =	shalt  }
0x5c: {  	_ =	shalt  }
0x5d: {  	_ =	shalt  }
0x5e: {  	_ =	shalt  }
0x5f: {  	_ =	shalt  }
0x60: {  	_ =	shalt  }
0x61: {  	_ =	shalt  }
0x62: {  	_ =	shalt  }
0x63: {  	_ =	shalt  }
0x64: {  	_ =	shalt  }
0x65: {  	_ =	shalt  }
0x66: {  	_ =	shalt  }
0x67: {  	_ =	shalt  }
0x68: {  	_ =	shalt  }
0x69: {  	_ =	shalt  }
0x6a: {  	_ =	shalt  }
0x6b: {  	_ =	shalt  }
0x6c: {  	_ =	shalt  }
0x6d: {  	_ =	shalt  }
0x6e: {  	_ =	shalt  }
0x6f: {  	_ =	shalt  }
0x70: {  	_ =	shalt  }
0x71: {  	_ =	shalt  }
0x72: {  	_ =	shalt  }
0x73: {  	_ =	shalt  }
0x74: {  	_ =	shalt  }
0x75: {  	_ =	shalt  }
0x76: {  	_ =	shalt  }
0x77: {  	_ =	shalt  }
0x78: {  	_ =	shalt  }
0x79: {  	_ =	shalt  }
0x7a: {  	_ =	shalt  }
0x7b: {  	_ =	shalt  }
0x7c: {  	_ =	shalt  }
0x7d: {  	_ =	shalt  }
0x7e: {  	_ =	shalt  }
0x7f: {  	_ =	shalt  }
0x80: {  	_ =	shalt  }
0x81: {  	_ =	shalt  }
0x82: {  	_ =	shalt  }
0x83: {  	_ =	shalt  }
0x84: {  	_ =	shalt  }
0x85: {  	_ =	shalt  }
0x86: {  	_ =	shalt  }
0x87: {  	_ =	shalt  }
.Lfunc_end0:
.L_simem_size_0:
called_computation_lowered:
.L_overlay_start_0:
0x88: {  	s2 =	sld [smem:$0x3FD9]  }
0x89: {  	s3 =	sld [smem:$0x3FFE];
	_ =	sdelay $0x1  }
0x8a: {  	s1 =	srdreg.scid  }
0x8b: {  	s0 =	sand.u32 $0x1, s1  }
0x8c: {  	s17 =	sshll.u32 s0, $0xA;
	s2 =	sadd.s32 s3, s2  }
0x8d: {  	s2 =	sadd.s32 s2, s17  }
0x8e: {  	[smem:$0x3FC4] =	sst s2  }
0x8f: {  	_ = 	snop  }
0x90: {  	s2 =	sld [smem:$0x3FD0];
	(tm) =	ssettm $0x1  }
0x91: {  	s18 =	sld [smem:$0x3FFB];
	_ =	sdelay $0x3  }
0x92: {  	_ =	strace s18  }
0x93: {  	s3 =	sld [smem:$0x3FFC];
	_ =	sdelay $0x3  }
0x94: {  	_ =	strace s3  }
0x95: {  	s3 =	sld [smem:$0x3FFD];
	_ =	sdelay $0x3  }
0x96: {  	_ =	strace s3  }
0x97: {  	_ =	strace $0x8FFFFFFF  }
0x98: {  	s19 =	sld [smem:$0x3FDB];
	_ =	sdelay $0x1  }
0x99: {  	s4 =	simm.s32 $_scs_section_size  }
0x9a: {  	s5 =	simm.s32 $_size__tile_overlayer_lowered;
	s6 =	simm.s32 $_tile_overlayer_lowered  }
0x9b: {  	s22 =	simm.s32 $0x1BFF;
	s21 =	sshll.u32 s6, $0x1;
	s3 =	sadd.s32 s4, s19  }
0x9c: {  	s7 =	simm.s32 $0x0;
	s20 =	sshll.u32 s5, $0x1;
	s5 =	sadd.s32 s21, s3  }
0x9d: {  	[timem:s7], [sflag:s22] =	dma.local [hbm:s5], s20  }
0x9e: {  	_ =	swait.ge [sflag:s22], s20  }
0x9f: {  	s4 =	ssub.s32 $0x0, s20;
	[sflag:s22] =	ssyncset.done $0x0  }
0xa0: {  	[sflag:s22] =	ssyncadd.s32 s4;
	_ =	sdelay $0x1  }
0xa1: {  	s23 =	simm.s32 $0x1B8B  }
0xa2: {  	_ =	swait.ge [sflag:s23], $0x1  }
0xa3: {  	[sflag:s23] =	ssyncset.done $0x0  }
0xa4: {  	s25 =	simm.s32 $0x1B8E;
	s24 =	sld [smem:$0x3FFE];
	[sflag:s23] =	ssyncadd.s32 $0xFFFFFFFF  }
0xa5: {  	s26 =	simm.s32 $execute0_lowered;
	[smem:$0x3FD2] =	sst s25  }
0xa6: {  	s5 =	sshll.u32 s26, $0x1;
	_ =	strace $0x80000046;
	[dreg:$0x1] =	wrdreg $0xFFFFFFFF  }
0xa7: {  	s28 =	simm.s32 $_size_execute0_lowered;
	s3 =	sadd.s32 s3, s5;
	[dreg:$0x0] =	wrdreg $0x0  }
0xa8: {  	s5 =	sshll.u32 s28, $0x1;
	[dreg:$0x2] =	wrdreg s3  }
0xa9: {  	[dreg:$0x3] =	wrdreg s5  }
0xaa: {  	[dreg:$0x4] =	wrdreg $0xC0  }
0xab: {  	_ =	task [dreg:s7], $0x5FFFF  }
0xac: {  	[dreg:$0x1] =	wrdreg $0xFFFFFFFF  }
0xad: {  	[dreg:$0x0] =	wrdreg $0x60  }
0xae: {  	[dreg:$0x2] =	wrdreg s2  }
0xaf: {  	[dreg:$0x3] =	wrdreg s24  }
0xb0: {  	[dreg:$0x4] =	wrdreg $0x9  }
0xb1: {  	_ =	task.clear_ibuf [dreg:s7], $0x5FFFF;
	_ =	strace $0x90000046  }
0xb2: {  	s29 =	simm.s32 $0x9;
	_ =	strace $0x80000048  }
0xb3: {  	_ =	swait.ge [sflag:s29], $0x1  }
0xb4: {  	[sflag:s29] =	ssyncadd.s32 $0xFFFFFFFF  }
0xb5: {  	_ =	strace $0x90000048  }
0xb6: {  	_ =	sfence  }
0xb7: {  	s30 =	sld [smem:$0x0];
	_ =	sdelay $0x2  }
0xb8: {  	s31 =	sshll.u32 s1, $0xD;
	s1 =	sshrl.u32 s1, $0x2  }
0xb9: {  	s3 =	sand.u32 $0x4000, s31;
	s1 =	sadd.s32 s1, s30  }
0xba: {  	s0 =	sor.u32 s3, s0;
	s1 =	sshll.u32 s1, $0x11  }
0xbb: {  	s0 =	sor.u32 s1, s0  }
0xbc: {  	s0 =	sadd.s32 $0x8F2B, s0  }
0xbd: {  	[sflag:s0] =	ssyncadd.remote.s32 $0x1  }
0xbe: {  	_ =	sfence.sel $0xFFFF  }
0xbf: {  	[dreg:$0x0] =	wrdreg $0xFFFFFFFF;
	(pc) =	sbr.abs _section_cstart, $3  }
0xc0: {  	[dreg:$0x1] =	wrdreg $0xFFFFFFFF  }
0xc1: {  	_ =	task.clear_ibuf [dreg:s7], $0x2FFFF;
	_ =	strace $0x9FFFFFFF  }
0xc2: {  	(tm) =	ssettm $0x7FFFFFFF  }
0xc3: {  	_ =	shalt  }
tec
execute0_lowered:
.L_overlay_start_1:
0x0: {  	(tag) =	ssettag $0x1  }
0x1: {  	s1 =	rddreg [dreg:$0x0]  }
0x2: {  	s4 =	rddreg [dreg:$0x1]  }
0x3: {  	s0 =	rddreg [dreg:$0x2]  }
0x4: {  	s5 =	srdreg.scid;
	s2 =	stileid.u32  }
0x5: {  	s3 =	simm.s32 $0x0;
	s5 =	sand.u32 $0x1, s5;
	s6 =	sshll.u32 s2, $0x1  }
0x6: {  	[smem:$0x7FF] =	sst s3;
	s7 =	sadd.s32 $0x2200, s4;
	s6 =	sor.u32 s5, s6  }
0x7: {  	_ =	strace $0x80000047;
	s28 =	ssub.s32 $0x2, s5;
	s29 =	sshll.u32 s6, $0x6  }
0x8: {  	s8 =	sshrl.u32 s28, $0x1;
	s6 =	sshll.u32 s6, $0xE;
	s9 =	sor.u32 $0x20, s29  }
0x9: {  	s8 =	ssub.s32 s28, s8;
	s4 =	sadd.s32 s7, s6;
	s31 =	sadd.s32 $0x40, s29  }
0xa: {  	v3 =	vimm.f32 $0.0e+00;
	v4 =	vlaneseq.u32;
	s30 =	sshll.u32 s9, $0x8;
	s6 =	smax.u32 s8, $0x1;
	s8 =	simm.s32 $0x1  }
0xb: {  	v0 =	vmov s29;
	v1 =	vmov s9;
	v2 =	vmov s31;
	s9 =	simm.s32 $0x0;
	s5 =	sadd.s32 s7, s30;
	s7 =	simm.s32 $0x10000  }
.LBB2_1:
0xc: {  	s10 =	simm.s32 $0x40;
	s11 =	simm.s32 $0x0  }
.LBB2_2:
0xd: {  	p0 =	sne.s32 s10, $0x3FFC0;
	[tilespmem:s11+$0x0] =	vst v3;
	s11 =	smov.u32 s10;
	s10 =	sadd.s32 $0x40, s10  }
.Ltmp0:
0xe: {  	(pc) =	sbr.rel @p0 .LBB2_2-.Ltmp0, $2  }
0xf: {  	_ =	sdelay $0x2  }
0x10: {  	s11 =	sshra.s32 s11, $0x2  }
0x11: {  	[tilespmem:s11+$0x0] =	vst v3;
	s10 =	simm.s32 $0x0;
	s11 =	simm.s32 $0x0  }
.LBB2_4:
0x12: {  	s12 =	smul.u32 $0x500, s11;
	_ =	sdelay $0x1  }
0x13: {  	s12 =	sadd.s32 s1, s12  }
0x14: {  	[tilespmem:s7], [sflag:$0x1] =	stream.linear.gather [hbm4b:s12+s10], $0x2800, $0x38;
	[tilespmem:$0x12800] =	vst v63  }
0x15: {  	_ =	swait.ge [sflag:s8], $0x2800  }
0x16: {  	[sflag:s8] =	ssyncset.done $0x0  }
0x17: {  	s13 =	simm.s32 $0x0;
	s12 =	sshll.u32 s11, $0x8;
	[sflag:s8] =	ssyncadd.s32 $0xFFFFD800  }
.LBB2_5:
0x18: {  	s14 =	sshll.u32 s13, $0x8;
	s15 =	sshll.u32 s13, $0x7  }
0x19: {  	s14 =	sand.u32 $0x3800, s14;
	s15 =	sand.u32 $0x380, s15  }
0x1a: {  	s30 =	simm.s32 $0x0;
	s14 =	sor.u32 s15, s14  }
0x1b: {  	s16 =	sand.u32 $0x400, s30;
	s14 =	sor.u32 $0x10000, s14  }
0x1c: {  	s15 =	sand.u32 $0x70, s30;
	s16 =	sadd.s32 s16, s14  }
0x1d: {  	s15 =	sadd.s32 s15, s16  }
0x1e: {  	v5 =	vld [tilespmem:s15+$0x0];
	_ =	sdelay $0x4  }
0x1f: {  	s31 =	sadd.s32 $0x0, s12;
	vm0 =	vge.s32 v5, v0;
	vm1 =	vlt.s32 v5, v1;
	v5 =	vsub.s32 v5, v0  }
0x20: {  	v6 =	vor.u32 s31, v4;
	vm0 =	vmand vm0, vm1;
	v5 =	vshll.u32 v5, $0xB  }
0x21: {  	v6 =	vand.u32 $0x7FF, v6;
	v5 =	vnsel vm0, $0x0, v5  }
0x22: {  	v5 =	vor.u32 v5, v6;
	_ =	sdelay $0x1  }
0x23: {  	s16 =	simm.s32 $0x80  }
0x24: {  	s17 =	simm.s32 $0x20;
	s15 =	simm.s32 $0x10;
	s18 =	sand.u32 $0x400, s16  }
.LBB2_6:
0x25: {  	p0 =	sne.s32 s17, $0xF0;
	s19 =	sand.u32 $0x70, s15;
	s18 =	sadd.s32 s18, s14;
	v6 =	vsel vm0, $0x3F800000, v3  }
0x26: {  	s18 =	sadd.s32 s19, s18;
	[tilespmem:v5+s3+$0x0] =	vst.idx.add.f32.msk $0xffff, v6  }
0x27: {  	v5 =	vld [tilespmem:s18+$0x0];
	_ =	sdelay $0x4  }
0x28: {  	s18 =	sadd.s32 s12, s15;
	s15 =	smov.u32 s17;
	vm0 =	vge.s32 v5, v0;
	vm1 =	vlt.s32 v5, v1;
	v5 =	vsub.s32 v5, v0  }
0x29: {  	v6 =	vor.u32 s18, v4;
	vm0 =	vmand vm0, vm1;
	v5 =	vshll.u32 v5, $0xB  }
.Ltmp1:
0x2a: {  	v6 =	vand.u32 $0x7FF, v6;
	v5 =	vnsel vm0, $0x0, v5;
	(pc) =	sbr.rel @p0 .LBB2_6-.Ltmp1, $3  }
0x2b: {  	v5 =	vor.u32 v5, v6;
	_ =	sdelay $0x1  }
0x2c: {  	s16 =	sadd.s32 $0x80, s16  }
0x2d: {  	s17 =	sadd.s32 $0x10, s17;
	s18 =	sand.u32 $0x400, s16  }
0x2e: {  	_ =	sdelay $0x2  }
0x2f: {  	s16 =	sand.u32 $0x70, s15;
	s14 =	sadd.s32 s18, s14;
	v6 =	vsel vm0, $0x3F800000, v3  }
0x30: {  	s14 =	sadd.s32 s16, s14;
	[tilespmem:v5+s3+$0x0] =	vst.idx.add.f32.msk $0xffff, v6  }
0x31: {  	v5 =	vld [tilespmem:s14+$0x0];
	_ =	sdelay $0x4  }
0x32: {  	s31 =	sadd.s32 s12, s15;
	vm15 =	vge.s32 v5, v0;
	vm1 =	vlt.s32 v5, v1;
	v5 =	vsub.s32 v5, v0  }
0x33: {  	v6 =	vor.u32 s31, v4;
	vm0 =	vmand vm15, vm1;
	v5 =	vshll.u32 v5, $0xB  }
0x34: {  	s13 =	sadd.s32 $0x1, s13;
	v6 =	vand.u32 $0x7FF, v6;
	v5 =	vnsel vm0, $0x0, v5  }
0x35: {  	p0 =	sne.s32 s13, $0x28;
	v5 =	vor.u32 v5, v6  }
.Ltmp2:
0x36: {  	_ = 	snop;
	(pc) =	sbr.rel @p0 .LBB2_5-.Ltmp2, $3  }
0x37: {  	_ =	sdelay $0x1  }
0x38: {  	v6 =	vsel vm0, $0x3F800000, v3  }
0x39: {  	[tilespmem:v5+s3+$0x0] =	vst.idx.add.f32.msk $0xffff, v6  }
0x3a: {  	s11 =	sadd.s32 $0x1, s11  }
0x3b: {  	p0 =	sne.s32 s11, $0x8  }
.Ltmp3:
0x3c: {  	_ = 	snop;
	(pc) =	sbr.rel @p0 .LBB2_4-.Ltmp3, $1  }
0x3d: {  	_ =	sdelay $0x3  }
0x3e: {  	s10 =	simm.s32 $0x0  }
0x3f: {  	[hbm4b:s4+s10] =	stream.linear.scatter [tilespmem:s10], [sflag:$0x1], $0x10000, $0x38;
	[tilespmem:$0x12800] =	vst v63  }
0x40: {  	_ =	swait.ge [sflag:s8], $0x10000  }
0x41: {  	[sflag:s8] =	ssyncset.done $0x0  }
0x42: {  	s11 =	simm.s32 $0x40;
	s12 =	simm.s32 $0x0;
	[sflag:s8] =	ssyncadd.s32 $0xFFFF0000  }
.LBB2_10:
0x43: {  	p0 =	sne.s32 s11, $0x3FFC0;
	[tilespmem:s12+$0x0] =	vst v3;
	s12 =	smov.u32 s11;
	s11 =	sadd.s32 $0x40, s11  }
.Ltmp4:
0x44: {  	(pc) =	sbr.rel @p0 .LBB2_10-.Ltmp4, $2  }
0x45: {  	_ =	sdelay $0x2  }
0x46: {  	s12 =	sshra.s32 s12, $0x2  }
0x47: {  	[tilespmem:s12+$0x0] =	vst v3  }
.LBB2_12:
0x48: {  	s11 =	smul.u32 $0x500, s10;
	_ =	sdelay $0x1  }
0x49: {  	s12 =	sadd.s32 s1, s11;
	s11 =	simm.s32 $0x0  }
0x4a: {  	[tilespmem:s7], [sflag:$0x1] =	stream.linear.gather [hbm4b:s12+s11], $0x2800, $0x38;
	[tilespmem:$0x12800] =	vst v63  }
0x4b: {  	_ =	swait.ge [sflag:s8], $0x2800  }
0x4c: {  	[sflag:s8] =	ssyncset.done $0x0  }
0x4d: {  	s13 =	simm.s32 $0x0;
	s12 =	sshll.u32 s10, $0x8;
	[sflag:s8] =	ssyncadd.s32 $0xFFFFD800  }
.LBB2_13:
0x4e: {  	s14 =	sshll.u32 s13, $0x8;
	s15 =	sshll.u32 s13, $0x7  }
0x4f: {  	s14 =	sand.u32 $0x3800, s14;
	s15 =	sand.u32 $0x380, s15  }
0x50: {  	s14 =	sor.u32 s15, s14  }
0x51: {  	s30 =	sand.u32 $0x400, s11;
	s14 =	sor.u32 $0x10000, s14  }
0x52: {  	s16 =	sand.u32 $0x70, s11;
	s15 =	sadd.s32 s30, s14  }
0x53: {  	s15 =	sadd.s32 s16, s15  }
0x54: {  	v5 =	vld [tilespmem:s15+$0x0];
	_ =	sdelay $0x4  }
0x55: {  	s31 =	sadd.s32 $0x0, s12;
	vm0 =	vge.s32 v5, v1;
	vm1 =	vlt.s32 v5, v2;
	v5 =	vsub.s32 v5, v1  }
0x56: {  	v6 =	vor.u32 s31, v4;
	vm0 =	vmand vm0, vm1;
	v5 =	vshll.u32 v5, $0xB  }
0x57: {  	v6 =	vand.u32 $0x7FF, v6;
	v5 =	vnsel vm0, $0x0, v5  }
0x58: {  	v5 =	vor.u32 v5, v6;
	_ =	sdelay $0x1  }
0x59: {  	s16 =	simm.s32 $0x80  }
0x5a: {  	s17 =	simm.s32 $0x20;
	s15 =	simm.s32 $0x10;
	s18 =	sand.u32 $0x400, s16  }
.LBB2_14:
0x5b: {  	p0 =	sne.s32 s17, $0xF0;
	s19 =	sand.u32 $0x70, s15;
	s18 =	sadd.s32 s18, s14;
	v6 =	vsel vm0, $0x3F800000, v3  }
0x5c: {  	s18 =	sadd.s32 s19, s18;
	[tilespmem:v5+s3+$0x0] =	vst.idx.add.f32.msk $0xffff, v6  }
0x5d: {  	v5 =	vld [tilespmem:s18+$0x0];
	_ =	sdelay $0x4  }
0x5e: {  	s18 =	sadd.s32 s12, s15;
	s15 =	smov.u32 s17;
	vm0 =	vge.s32 v5, v1;
	vm1 =	vlt.s32 v5, v2;
	v5 =	vsub.s32 v5, v1  }
0x5f: {  	v6 =	vor.u32 s18, v4;
	vm0 =	vmand vm0, vm1;
	v5 =	vshll.u32 v5, $0xB  }
.Ltmp5:
0x60: {  	v6 =	vand.u32 $0x7FF, v6;
	v5 =	vnsel vm0, $0x0, v5;
	(pc) =	sbr.rel @p0 .LBB2_14-.Ltmp5, $3  }
0x61: {  	v5 =	vor.u32 v5, v6;
	_ =	sdelay $0x1  }
0x62: {  	s16 =	sadd.s32 $0x80, s16  }
0x63: {  	s17 =	sadd.s32 $0x10, s17;
	s18 =	sand.u32 $0x400, s16  }
0x64: {  	_ =	sdelay $0x2  }
0x65: {  	s16 =	sand.u32 $0x70, s15;
	s14 =	sadd.s32 s18, s14;
	v6 =	vsel vm0, $0x3F800000, v3  }
0x66: {  	s14 =	sadd.s32 s16, s14;
	[tilespmem:v5+s3+$0x0] =	vst.idx.add.f32.msk $0xffff, v6  }
0x67: {  	v5 =	vld [tilespmem:s14+$0x0];
	_ =	sdelay $0x4  }
0x68: {  	s31 =	sadd.s32 s12, s15;
	vm15 =	vge.s32 v5, v1;
	vm1 =	vlt.s32 v5, v2;
	v5 =	vsub.s32 v5, v1  }
0x69: {  	v6 =	vor.u32 s31, v4;
	vm0 =	vmand vm15, vm1;
	v5 =	vshll.u32 v5, $0xB  }
0x6a: {  	s13 =	sadd.s32 $0x1, s13;
	v6 =	vand.u32 $0x7FF, v6;
	v5 =	vnsel vm0, $0x0, v5  }
0x6b: {  	p0 =	sne.s32 s13, $0x28;
	v5 =	vor.u32 v5, v6  }
.Ltmp6:
0x6c: {  	_ = 	snop;
	(pc) =	sbr.rel @p0 .LBB2_13-.Ltmp6, $3  }
0x6d: {  	_ =	sdelay $0x1  }
0x6e: {  	v6 =	vsel vm0, $0x3F800000, v3  }
0x6f: {  	[tilespmem:v5+s3+$0x0] =	vst.idx.add.f32.msk $0xffff, v6  }
0x70: {  	s10 =	sadd.s32 $0x1, s10  }
0x71: {  	p0 =	sne.s32 s10, $0x8  }
.Ltmp7:
0x72: {  	_ = 	snop;
	(pc) =	sbr.rel @p0 .LBB2_12-.Ltmp7, $1  }
0x73: {  	_ =	sdelay $0x3  }
0x74: {  	s9 =	sadd.s32 $0x1, s9  }
0x75: {  	p0 =	sne.s32 s9, s6  }
.Ltmp8:
0x76: {  	_ = 	snop;
	(pc) =	sbr.rel @p0 .LBB2_1-.Ltmp8, $4  }
0x77: {  	[hbm4b:s5+s3] =	stream.linear.scatter [tilespmem:s3], [sflag:$0x1], $0x10000, $0x38;
	[tilespmem:$0x12800] =	vst v63  }
0x78: {  	_ =	swait.ge [sflag:s8], $0x10000  }
0x79: {  	[sflag:s8] =	ssyncset.done $0x0  }
0x7a: {  	[sflag:s8] =	ssyncadd.s32 $0xFFFF0000  }
0x7b: {  	_ =	sfence.sel $0x180000  }
0x7c: {  	[bflag:$0x0] =	sbarrier.arrive $0xFFFF  }
0x7d: {  	p0 =	sne.s32 s2, $0x0;
	_ =	strace $0x90000047  }
0x7e: {  	s0 =	sadd.s32 @!p0 $0x100000, s0;
	[bflag:$0x2] =	sbarrier.arrive $0xFFFF  }
0x7f: {  	[sflag:s0] =	ssyncadd.tile.s32 @!p0 $0x1;
	_ =	shalt  }
.Lfunc_end2:
_tile_overlayer_lowered:
.L_overlay_start_2:
0x80: {  	(tag) =	ssettag $0x2  }
0x81: {  	s0 =	rddreg [dreg:$0x0];
	s2 =	stileid.u32  }
0x82: {  	s1 =	rddreg [dreg:$0x1];
	p0 =	sne.s32 s2, $0x0  }
0x83: {  	s3 =	rddreg [dreg:$0x2];
	[bflag:$0x3] =	sbarrier.arrive $0xFFFF;
	s2 =	simm.s32 @!p0 $0x1C01  }
0x84: {  	[timem:s3], [sflag:s2] =	dma.local @!p0 [hbm:s0], s1  }
0x85: {  	s0 =	simm.s32 @!p0 $0x1  }
0x86: {  	_ =	swait.ge @!p0 [sflag:s0], s1  }
0x87: {  	s1 =	ssub.s32 @!p0 $0x0, s1;
	[sflag:s0] =	ssyncset.done @!p0 $0x0  }
0x88: {  	[sflag:s0] =	ssyncadd.s32 @!p0 s1  }
0x89: {  	[bflag:$0x3] =	sbarrier.arrive $0xFFFF  }
0x8a: {  	_ =	shalt  }

</sc_bundles>
